<compile_context>
chip_gen: v7x
topology: tpu7x:2x2x1
jax: 0.10.2.dev20260603
libtpu: 0.0.44.dev20260713+nightly
codegen_flags: <defaults>
</compile_context>

<pallas_src>
import dataclasses

import jax
import jax.numpy as jnp
from jax import lax
from jax.experimental import pallas as pl
from jax.experimental.pallas import tpu as pltpu
from jax.experimental.pallas import tpu_sc as plsc

_B = 16384
_NS = 26
_ND = 13
_V = 100000
_E = 32
_NF = _NS + _ND
_NL = _NF * _E
_L = 16

_NC = 2
_NSUB = 16
_NW = _NC * _NSUB
_LINES_W = _NL // _NW
_NVREG = _B // _L


def _compiler_params():
    cp = pltpu.CompilerParams()
    fields = getattr(pltpu.CompilerParams, "__dataclass_fields__", {})
    if "needs_layout_passes" in fields:
        cp = dataclasses.replace(cp, needs_layout_passes=False)
    if "use_tc_tiling_on_sc" in fields:
        cp = dataclasses.replace(cp, use_tc_tiling_on_sc=False)
    return cp


def _body(tab_hbm, sf_hbm, df_hbm, dt_hbm, out_hbm,
          line_v, buf_v, dt_v, sem_line, sem_out):
    wid = lax.axis_index("core") * _NSUB + lax.axis_index("subcore")
    pltpu.sync_copy(dt_hbm, dt_v)
    l0 = wid * _LINES_W

    def _out_dst(l):
        return out_hbm.at[l // 8, pl.ds(0, _B // 128), pl.ds((l % 8) * 128, 128)]

    @pl.loop(0, _LINES_W)
    def _line(k):
        l = l0 + k
        is_sparse = l < _NS * _E

        @pl.when(is_sparse)
        def _sparse():
            f = l // _E
            e = l % _E
            for q in range(4):
                pltpu.async_copy(tab_hbm.at[f, e, pl.ds(q * (_V // 4), _V // 4)],
                                 line_v.at[pl.ds(q * (_V // 4), _V // 4)],
                                 sem_line)

            @pl.when(k > 0)
            def _drain_prev():
                pltpu.make_async_copy(buf_v, _out_dst(l), sem_out).wait()

            pltpu.sync_copy(sf_hbm.at[f], buf_v)
            for q in range(4):
                pltpu.make_async_copy(
                    tab_hbm.at[f, e, pl.ds(q * (_V // 4), _V // 4)],
                    line_v.at[pl.ds(q * (_V // 4), _V // 4)],
                    sem_line).wait()

            @pl.loop(0, _B // 128)
            def _g(j):
                for u in range(8):
                    sl = pl.ds(u * _L, _L)
                    x = plsc.bitcast(buf_v[j, sl], jnp.int32)
                    buf_v[j, sl] = plsc.load_gather(line_v, [x])

            pltpu.async_copy(buf_v, _out_dst(l), sem_out)

        @pl.when(jnp.logical_not(is_sparse))
        def _dense():
            ld = l - _NS * _E
            f = ld // _E
            e = ld % _E

            @pl.when(k > 0)
            def _drain_prev():
                pltpu.make_async_copy(buf_v, _out_dst(l), sem_out).wait()

            pltpu.sync_copy(df_hbm.at[f], buf_v)
            fv = jnp.broadcast_to(f, (_L,)).astype(jnp.int32)
            ev = jnp.broadcast_to(e, (_L,)).astype(jnp.int32)
            s = plsc.load_gather(dt_v, [fv, ev])

            @pl.loop(0, _B // 128)
            def _m(j):
                for u in range(8):
                    sl = pl.ds(u * _L, _L)
                    buf_v[j, sl] = buf_v[j, sl] * s

            pltpu.async_copy(buf_v, _out_dst(l), sem_out)

    pltpu.make_async_copy(buf_v, _out_dst(l0), sem_out).wait()


def kernel(sparse_feat, dense_feat, sparse_tables, dense_tables):
    tab_t = jnp.transpose(sparse_tables, (0, 2, 1))
    sf_t = jax.lax.bitcast_convert_type(
        jnp.transpose(sparse_feat, (1, 0)), jnp.float32)
    sf_t = sf_t.reshape(_NS, _B // 128, 128)
    df_t = jnp.transpose(dense_feat, (1, 0)).reshape(_ND, _B // 128, 128)
    mesh = plsc.VectorSubcoreMesh(core_axis_name="core",
                                  subcore_axis_name="subcore")
    k = pl.kernel(
        out_type=jax.ShapeDtypeStruct((_NL // 8, _B // 128, 1024),
                                      jnp.float32),
        mesh=mesh,
        scratch_types=[
            pltpu.VMEM((_V,), jnp.float32),
            pltpu.VMEM((_B // 128, 128), jnp.float32),
            pltpu.VMEM((_ND, _E), jnp.float32),
            pltpu.SemaphoreType.DMA,
            pltpu.SemaphoreType.DMA,
        ],
        compiler_params=_compiler_params(),
    )(_body)
    out_t = k(tab_t, sf_t, df_t, dense_tables)
    x = out_t.reshape(_NL // 8, _B // 128, 8, 128)
    return jnp.transpose(x, (1, 3, 0, 2)).reshape(_B, _NL)

# --- scband reference (transcript-rebuilt; emitter-appended) ---
"""Pipeline reference for scband-embedding-52097953301034 (READ-ONLY COPY).

The authoritative reference and input builder live on the scoring server;
editing this copy changes nothing except your own understanding.
"""

import jax, jax.numpy as jnp
import numpy as np

B = 16384
N_SPARSE = 26
N_DENSE = 13
VOCAB = 100000
EMBED = 32


def setup_inputs(seed: int = 0) -> dict:
    key = jax.random.key(seed)
    k1, k2, k3, k4 = jax.random.split(key, 4)
    sparse_feat = jax.random.randint(k1, (B, N_SPARSE), 0, VOCAB, dtype=jnp.int32)
    dense_feat = jax.random.uniform(k2, (B, N_DENSE), dtype=jnp.float32)
    # learned params: one embedding table per sparse field (init ~U[0.8,0.9] per init_weight)
    sparse_tables = jax.random.uniform(k3, (N_SPARSE, VOCAB, EMBED), minval=0.8, maxval=0.9, dtype=jnp.float32)
    # dense embedding: a learned [EMBED] vector per dense field, scaled by the scalar value
    dense_tables = jax.random.uniform(k4, (N_DENSE, EMBED), minval=0.8, maxval=0.9, dtype=jnp.float32)
    return {
        'sparse_feat': sparse_feat,
        'dense_feat': dense_feat,
        'sparse_tables': sparse_tables,
        'dense_tables': dense_tables,
    }


def reference(sparse_feat, dense_feat, sparse_tables, dense_tables):
    # clamp step from original forward (keep indices in-range)
    idx = jnp.clip(sparse_feat, 0, VOCAB - 1)
    # per-field embedding lookup, concatenated along axis=1
    gather = jax.vmap(lambda tab, i: jnp.take(tab, i, axis=0), in_axes=(0, 1), out_axes=1)
    sp = gather(sparse_tables, idx)                # [B, N_SPARSE, EMBED]
    sp = sp.reshape(sp.shape[0], N_SPARSE * EMBED)
    # dense embedding: scalar value * learned embedding vector per field
    de = dense_feat[:, :, None] * dense_tables[None, :, :]  # [B, N_DENSE, EMBED]
    de = de.reshape(de.shape[0], N_DENSE * EMBED)
    out = jnp.concatenate([sp, de], axis=1)        # [B, (N_SPARSE+N_DENSE)*EMBED]
    return out

if __name__ == "__main__":
    import jax
    _d = setup_inputs()
    print(jax.jit(kernel)(*tuple(_d.values())))

</pallas_src>

<mosaic_0001>
#map = affine_map<(d0, d1) -> (0, 0, 0)>
#map1 = affine_map<(d0, d1) -> (0, 0)>
module attributes {stable_mosaic.version = 14 : i64} {
  func.func @_body(%arg0: i32, %arg1: i32, %arg2: memref<26x32x100000xf32, #tpu.memory_space<hbm>>, %arg3: memref<26x128x128xf32, #tpu.memory_space<hbm>>, %arg4: memref<13x128x128xf32, #tpu.memory_space<hbm>>, %arg5: memref<13x32xf32, #tpu.memory_space<hbm>>, %arg6: memref<156x128x1024xf32, #tpu.memory_space<hbm>>, %arg7: memref<100000xf32, #tpu.memory_space<vmem>>, %arg8: memref<128x128xf32, #tpu.memory_space<vmem>>, %arg9: memref<13x32xf32, #tpu.memory_space<vmem>>, %arg10: memref<!tpu.dma_semaphore, #tpu.memory_space<semaphore_mem>>, %arg11: memref<!tpu.dma_semaphore, #tpu.memory_space<semaphore_mem>>) attributes {dimension_semantics = [#tpu.dimension_semantics<core_parallel>, #tpu.dimension_semantics<subcore_parallel>], iteration_bounds = array<i64: 2, 16>, scalar_prefetch = 0 : i64, scratch_operands = 5 : i64, tpu.core_type = #tpu.core_type<sc_vector_subcore>, window_params = [{transform_indices = #map}, {transform_indices = #map}, {transform_indices = #map}, {transform_indices = #map1}, {transform_indices = #map}]} {
    %mul3A = arith.constant 16 : i32
    %mul3A_0 = arith.muli %arg0, %mul3A : i32
    %add3A = arith.addi %mul3A_0, %arg1 : i32
    "tpu.region"() ({
      %run_scoped3A = tpu.sem_alloc : memref<!tpu.dma_semaphore, #tpu.memory_space<semaphore_mem>>
      tpu.enqueue_dma source(%arg5 : memref<13x32xf32, #tpu.memory_space<hbm>>) target(%arg9 : memref<13x32xf32, #tpu.memory_space<vmem>>) target_semaphore(%run_scoped3A : memref<!tpu.dma_semaphore, #tpu.memory_space<semaphore_mem>>)
      tpu.wait_dma2 semaphore(%run_scoped3A : memref<!tpu.dma_semaphore, #tpu.memory_space<semaphore_mem>>) src(%arg5 : memref<13x32xf32, #tpu.memory_space<hbm>>) dst(%arg9 : memref<13x32xf32, #tpu.memory_space<vmem>>)
      tpu.yield
    }) : () -> ()
    %mul3A_1 = arith.constant 39 : i32
    %mul3A_2 = arith.muli %add3A, %mul3A_1 : i32
    %scan3A = arith.constant 0 : i32
    %scan3A_3 = arith.constant 39 : i32
    %scan3A_4 = arith.addi %scan3A, %scan3A_3 : i32
    %scan3A_5 = arith.constant 1 : i32
    scf.for %scan3A_44 = %scan3A to %scan3A_4 step %scan3A_5  : i32 {
      %mul3A_45 = arith.constant 1 : i32
      %mul3A_46 = arith.muli %scan3A_44, %mul3A_45 : i32
      %add3A_47 = arith.constant 0 : i32
      %add3A_48 = arith.addi %add3A_47, %mul3A_46 : i32
      %add3A_49 = arith.addi %mul3A_2, %add3A_48 : i32
      %lt3A_50 = arith.constant 832 : i32
      %lt3A_51 = arith.cmpi slt, %add3A_49, %lt3A_50 : i32
      %convert_element_type3A = arith.extui %lt3A_51 : i1 to i32
      %cond3A = arith.constant 0 : i32
      %cond3A_52 = arith.cmpi ne, %convert_element_type3A, %cond3A : i32
      scf.if %cond3A_52 {
        %jit3A_57 = arith.constant 32 : i32
        %div3A_58 = arith.divsi %add3A_49, %jit3A_57 : i32
        %sign3A_59 = arith.constant 0 : i32
        %sign3A_60 = arith.cmpi sgt, %add3A_49, %sign3A_59 : i32
        %sign3A_61 = arith.extui %sign3A_60 : i1 to i32
        %sign3A_62 = arith.constant 0 : i32
        %sign3A_63 = arith.cmpi slt, %add3A_49, %sign3A_62 : i32
        %sign3A_64 = arith.extui %sign3A_63 : i1 to i32
        %sign3A_65 = arith.subi %sign3A_61, %sign3A_64 : i32
        %sign3A_66 = arith.constant 0 : i32
        %sign3A_67 = arith.cmpi sgt, %jit3A_57, %sign3A_66 : i32
        %sign3A_68 = arith.extui %sign3A_67 : i1 to i32
        %sign3A_69 = arith.constant 0 : i32
        %sign3A_70 = arith.cmpi slt, %jit3A_57, %sign3A_69 : i32
        %sign3A_71 = arith.extui %sign3A_70 : i1 to i32
        %sign3A_72 = arith.subi %sign3A_68, %sign3A_71 : i32
        %ne3A_73 = arith.cmpi ne, %sign3A_65, %sign3A_72 : i32
        %rem3A_74 = arith.remsi %add3A_49, %jit3A_57 : i32
        %ne3A_75 = arith.constant 0 : i32
        %ne3A_76 = arith.cmpi ne, %rem3A_74, %ne3A_75 : i32
        %and3A_77 = arith.andi %ne3A_73, %ne3A_76 : i1
        %sub3A_78 = arith.constant 1 : i32
        %sub3A_79 = arith.subi %div3A_58, %sub3A_78 : i32
        %select_n3A_80 = arith.select %and3A_77, %sub3A_79, %div3A_58 : i32
        %jit3A_81 = arith.constant 32 : i32
        %eq3A_82 = arith.constant 0 : i32
        %eq3A_83 = arith.cmpi eq, %jit3A_81, %eq3A_82 : i32
        %jit3A_84 = arith.constant 1 : i32
        %select_n3A_85 = arith.select %eq3A_83, %jit3A_84, %jit3A_81 : i32
        %rem3A_86 = arith.remsi %add3A_49, %select_n3A_85 : i32
        %ne3A_87 = arith.constant 0 : i32
        %ne3A_88 = arith.cmpi ne, %rem3A_86, %ne3A_87 : i32
        %lt3A_89 = arith.constant 0 : i32
        %lt3A_90 = arith.cmpi slt, %rem3A_86, %lt3A_89 : i32
        %lt3A_91 = arith.constant 0 : i32
        %lt3A_92 = arith.cmpi slt, %select_n3A_85, %lt3A_91 : i32
        %ne3A_93 = arith.xori %lt3A_90, %lt3A_92 : i1
        %and3A_94 = arith.andi %ne3A_93, %ne3A_88 : i1
        %add3A_95 = arith.addi %rem3A_86, %select_n3A_85 : i32
        %select_n3A_96 = arith.select %and3A_94, %add3A_95, %rem3A_86 : i32
        %dma_start3A = arith.constant 0 : i32
        %dma_start3A_97 = tpu.memref_slice %arg7[%dma_start3A] : memref<100000xf32, #tpu.memory_space<vmem>> -> memref<25000xf32, #tpu.memory_space<vmem>>
        %dma_start3A_98 = arith.constant 0 : i32
        %dma_start3A_99 = tpu.memref_slice %arg2[%select_n3A_80, %select_n3A_96, %dma_start3A_98] : memref<26x32x100000xf32, #tpu.memory_space<hbm>> -> memref<1x1x25000xf32, #tpu.memory_space<hbm>>
        %dma_start3A_100 = tpu.memref_squeeze %dma_start3A_99 : memref<1x1x25000xf32, #tpu.memory_space<hbm>> -> memref<25000xf32, #tpu.memory_space<hbm>>
        %dma_start3A_101 = arith.constant 0 : i32
        %dma_start3A_102 = tpu.memref_slice %arg7[%dma_start3A_101] : memref<100000xf32, #tpu.memory_space<vmem>> -> memref<25000xf32, #tpu.memory_space<vmem>>
        %dma_start3A_103 = arith.constant 0 : i32
        %dma_start3A_104 = tpu.memref_slice %arg2[%select_n3A_80, %select_n3A_96, %dma_start3A_103] : memref<26x32x100000xf32, #tpu.memory_space<hbm>> -> memref<1x1x25000xf32, #tpu.memory_space<hbm>>
        %dma_start3A_105 = tpu.memref_squeeze %dma_start3A_104 : memref<1x1x25000xf32, #tpu.memory_space<hbm>> -> memref<25000xf32, #tpu.memory_space<hbm>>
        tpu.enqueue_dma source(%dma_start3A_105 : memref<25000xf32, #tpu.memory_space<hbm>>) target(%dma_start3A_102 : memref<25000xf32, #tpu.memory_space<vmem>>) target_semaphore(%arg10 : memref<!tpu.dma_semaphore, #tpu.memory_space<semaphore_mem>>)
        %dma_start3A_106 = arith.constant 25000 : i32
        %dma_start3A_107 = tpu.memref_slice %arg7[%dma_start3A_106] : memref<100000xf32, #tpu.memory_space<vmem>> -> memref<25000xf32, #tpu.memory_space<vmem>>
        %dma_start3A_108 = arith.constant 25000 : i32
        %dma_start3A_109 = tpu.memref_slice %arg2[%select_n3A_80, %select_n3A_96, %dma_start3A_108] : memref<26x32x100000xf32, #tpu.memory_space<hbm>> -> memref<1x1x25000xf32, #tpu.memory_space<hbm>>
        %dma_start3A_110 = tpu.memref_squeeze %dma_start3A_109 : memref<1x1x25000xf32, #tpu.memory_space<hbm>> -> memref<25000xf32, #tpu.memory_space<hbm>>
        %dma_start3A_111 = arith.constant 25000 : i32
        %dma_start3A_112 = tpu.memref_slice %arg7[%dma_start3A_111] : memref<100000xf32, #tpu.memory_space<vmem>> -> memref<25000xf32, #tpu.memory_space<vmem>>
        %dma_start3A_113 = arith.constant 25000 : i32
        %dma_start3A_114 = tpu.memref_slice %arg2[%select_n3A_80, %select_n3A_96, %dma_start3A_113] : memref<26x32x100000xf32, #tpu.memory_space<hbm>> -> memref<1x1x25000xf32, #tpu.memory_space<hbm>>
        %dma_start3A_115 = tpu.memref_squeeze %dma_start3A_114 : memref<1x1x25000xf32, #tpu.memory_space<hbm>> -> memref<25000xf32, #tpu.memory_space<hbm>>
        tpu.enqueue_dma source(%dma_start3A_115 : memref<25000xf32, #tpu.memory_space<hbm>>) target(%dma_start3A_112 : memref<25000xf32, #tpu.memory_space<vmem>>) target_semaphore(%arg10 : memref<!tpu.dma_semaphore, #tpu.memory_space<semaphore_mem>>)
        %dma_start3A_116 = arith.constant 50000 : i32
        %dma_start3A_117 = tpu.memref_slice %arg7[%dma_start3A_116] : memref<100000xf32, #tpu.memory_space<vmem>> -> memref<25000xf32, #tpu.memory_space<vmem>>
        %dma_start3A_118 = arith.constant 50000 : i32
        %dma_start3A_119 = tpu.memref_slice %arg2[%select_n3A_80, %select_n3A_96, %dma_start3A_118] : memref<26x32x100000xf32, #tpu.memory_space<hbm>> -> memref<1x1x25000xf32, #tpu.memory_space<hbm>>
        %dma_start3A_120 = tpu.memref_squeeze %dma_start3A_119 : memref<1x1x25000xf32, #tpu.memory_space<hbm>> -> memref<25000xf32, #tpu.memory_space<hbm>>
        %dma_start3A_121 = arith.constant 50000 : i32
        %dma_start3A_122 = tpu.memref_slice %arg7[%dma_start3A_121] : memref<100000xf32, #tpu.memory_space<vmem>> -> memref<25000xf32, #tpu.memory_space<vmem>>
        %dma_start3A_123 = arith.constant 50000 : i32
        %dma_start3A_124 = tpu.memref_slice %arg2[%select_n3A_80, %select_n3A_96, %dma_start3A_123] : memref<26x32x100000xf32, #tpu.memory_space<hbm>> -> memref<1x1x25000xf32, #tpu.memory_space<hbm>>
        %dma_start3A_125 = tpu.memref_squeeze %dma_start3A_124 : memref<1x1x25000xf32, #tpu.memory_space<hbm>> -> memref<25000xf32, #tpu.memory_space<hbm>>
        tpu.enqueue_dma source(%dma_start3A_125 : memref<25000xf32, #tpu.memory_space<hbm>>) target(%dma_start3A_122 : memref<25000xf32, #tpu.memory_space<vmem>>) target_semaphore(%arg10 : memref<!tpu.dma_semaphore, #tpu.memory_space<semaphore_mem>>)
        %dma_start3A_126 = arith.constant 75000 : i32
        %dma_start3A_127 = tpu.memref_slice %arg7[%dma_start3A_126] : memref<100000xf32, #tpu.memory_space<vmem>> -> memref<25000xf32, #tpu.memory_space<vmem>>
        %dma_start3A_128 = arith.constant 75000 : i32
        %dma_start3A_129 = tpu.memref_slice %arg2[%select_n3A_80, %select_n3A_96, %dma_start3A_128] : memref<26x32x100000xf32, #tpu.memory_space<hbm>> -> memref<1x1x25000xf32, #tpu.memory_space<hbm>>
        %dma_start3A_130 = tpu.memref_squeeze %dma_start3A_129 : memref<1x1x25000xf32, #tpu.memory_space<hbm>> -> memref<25000xf32, #tpu.memory_space<hbm>>
        %dma_start3A_131 = arith.constant 75000 : i32
        %dma_start3A_132 = tpu.memref_slice %arg7[%dma_start3A_131] : memref<100000xf32, #tpu.memory_space<vmem>> -> memref<25000xf32, #tpu.memory_space<vmem>>
        %dma_start3A_133 = arith.constant 75000 : i32
        %dma_start3A_134 = tpu.memref_slice %arg2[%select_n3A_80, %select_n3A_96, %dma_start3A_133] : memref<26x32x100000xf32, #tpu.memory_space<hbm>> -> memref<1x1x25000xf32, #tpu.memory_space<hbm>>
        %dma_start3A_135 = tpu.memref_squeeze %dma_start3A_134 : memref<1x1x25000xf32, #tpu.memory_space<hbm>> -> memref<25000xf32, #tpu.memory_space<hbm>>
        tpu.enqueue_dma source(%dma_start3A_135 : memref<25000xf32, #tpu.memory_space<hbm>>) target(%dma_start3A_132 : memref<25000xf32, #tpu.memory_space<vmem>>) target_semaphore(%arg10 : memref<!tpu.dma_semaphore, #tpu.memory_space<semaphore_mem>>)
        %gt3A = arith.constant 0 : i32
        %gt3A_136 = arith.cmpi sgt, %add3A_48, %gt3A : i32
        %convert_element_type3A_137 = arith.extui %gt3A_136 : i1 to i32
        %cond3A_138 = arith.constant 0 : i32
        %cond3A_139 = arith.cmpi ne, %convert_element_type3A_137, %cond3A_138 : i32
        scf.if %cond3A_139 {
          %jit3A_233 = arith.constant 8 : i32
          %div3A_234 = arith.divsi %add3A_49, %jit3A_233 : i32
          %sign3A_235 = arith.constant 0 : i32
          %sign3A_236 = arith.cmpi sgt, %add3A_49, %sign3A_235 : i32
          %sign3A_237 = arith.extui %sign3A_236 : i1 to i32
          %sign3A_238 = arith.constant 0 : i32
          %sign3A_239 = arith.cmpi slt, %add3A_49, %sign3A_238 : i32
          %sign3A_240 = arith.extui %sign3A_239 : i1 to i32
          %sign3A_241 = arith.subi %sign3A_237, %sign3A_240 : i32
          %sign3A_242 = arith.constant 0 : i32
          %sign3A_243 = arith.cmpi sgt, %jit3A_233, %sign3A_242 : i32
          %sign3A_244 = arith.extui %sign3A_243 : i1 to i32
          %sign3A_245 = arith.constant 0 : i32
          %sign3A_246 = arith.cmpi slt, %jit3A_233, %sign3A_245 : i32
          %sign3A_247 = arith.extui %sign3A_246 : i1 to i32
          %sign3A_248 = arith.subi %sign3A_244, %sign3A_247 : i32
          %ne3A_249 = arith.cmpi ne, %sign3A_241, %sign3A_248 : i32
          %rem3A_250 = arith.remsi %add3A_49, %jit3A_233 : i32
          %ne3A_251 = arith.constant 0 : i32
          %ne3A_252 = arith.cmpi ne, %rem3A_250, %ne3A_251 : i32
          %and3A_253 = arith.andi %ne3A_249, %ne3A_252 : i1
          %sub3A_254 = arith.constant 1 : i32
          %sub3A_255 = arith.subi %div3A_234, %sub3A_254 : i32
          %select_n3A_256 = arith.select %and3A_253, %sub3A_255, %div3A_234 : i32
          %jit3A_257 = arith.constant 8 : i32
          %eq3A_258 = arith.constant 0 : i32
          %eq3A_259 = arith.cmpi eq, %jit3A_257, %eq3A_258 : i32
          %jit3A_260 = arith.constant 1 : i32
          %select_n3A_261 = arith.select %eq3A_259, %jit3A_260, %jit3A_257 : i32
          %rem3A_262 = arith.remsi %add3A_49, %select_n3A_261 : i32
          %ne3A_263 = arith.constant 0 : i32
          %ne3A_264 = arith.cmpi ne, %rem3A_262, %ne3A_263 : i32
          %lt3A_265 = arith.constant 0 : i32
          %lt3A_266 = arith.cmpi slt, %rem3A_262, %lt3A_265 : i32
          %lt3A_267 = arith.constant 0 : i32
          %lt3A_268 = arith.cmpi slt, %select_n3A_261, %lt3A_267 : i32
          %ne3A_269 = arith.xori %lt3A_266, %lt3A_268 : i1
          %and3A_270 = arith.andi %ne3A_269, %ne3A_264 : i1
          %add3A_271 = arith.addi %rem3A_262, %select_n3A_261 : i32
          %select_n3A_272 = arith.select %and3A_270, %add3A_271, %rem3A_262 : i32
          %mul3A_273 = arith.constant 128 : i32
          %mul3A_274 = arith.muli %select_n3A_272, %mul3A_273 : i32
          %dma_wait3A_275 = arith.constant 0 : i32
          %dma_wait3A_276 = tpu.memref_slice %arg6[%select_n3A_256, %dma_wait3A_275, %mul3A_274] : memref<156x128x1024xf32, #tpu.memory_space<hbm>> -> memref<1x128x128xf32, #tpu.memory_space<hbm>>
          %dma_wait3A_277 = tpu.memref_squeeze %dma_wait3A_276 : memref<1x128x128xf32, #tpu.memory_space<hbm>> -> memref<128x128xf32, #tpu.memory_space<hbm>>
          %dma_wait3A_278 = arith.constant 0 : i32
          %dma_wait3A_279 = tpu.memref_slice %arg6[%select_n3A_256, %dma_wait3A_278, %mul3A_274] : memref<156x128x1024xf32, #tpu.memory_space<hbm>> -> memref<1x128x128xf32, #tpu.memory_space<hbm>>
          %dma_wait3A_280 = tpu.memref_squeeze %dma_wait3A_279 : memref<1x128x128xf32, #tpu.memory_space<hbm>> -> memref<128x128xf32, #tpu.memory_space<hbm>>
          tpu.wait_dma2 semaphore(%arg11 : memref<!tpu.dma_semaphore, #tpu.memory_space<semaphore_mem>>) src(%arg8 : memref<128x128xf32, #tpu.memory_space<vmem>>) dst(%dma_wait3A_280 : memref<128x128xf32, #tpu.memory_space<hbm>>)
        } else {
        }
        "tpu.region"() ({
          %run_scoped3A = tpu.sem_alloc : memref<!tpu.dma_semaphore, #tpu.memory_space<semaphore_mem>>
          %dma_start3A_233 = arith.constant 0 : i32
          %dma_start3A_234 = arith.constant 0 : i32
          %dma_start3A_235 = tpu.memref_slice %arg3[%select_n3A_80, %dma_start3A_233, %dma_start3A_234] : memref<26x128x128xf32, #tpu.memory_space<hbm>> -> memref<1x128x128xf32, #tpu.memory_space<hbm>>
          %dma_start3A_236 = tpu.memref_squeeze %dma_start3A_235 : memref<1x128x128xf32, #tpu.memory_space<hbm>> -> memref<128x128xf32, #tpu.memory_space<hbm>>
          %dma_start3A_237 = arith.constant 0 : i32
          %dma_start3A_238 = arith.constant 0 : i32
          %dma_start3A_239 = tpu.memref_slice %arg3[%select_n3A_80, %dma_start3A_237, %dma_start3A_238] : memref<26x128x128xf32, #tpu.memory_space<hbm>> -> memref<1x128x128xf32, #tpu.memory_space<hbm>>
          %dma_start3A_240 = tpu.memref_squeeze %dma_start3A_239 : memref<1x128x128xf32, #tpu.memory_space<hbm>> -> memref<128x128xf32, #tpu.memory_space<hbm>>
          tpu.enqueue_dma source(%dma_start3A_240 : memref<128x128xf32, #tpu.memory_space<hbm>>) target(%arg8 : memref<128x128xf32, #tpu.memory_space<vmem>>) target_semaphore(%run_scoped3A : memref<!tpu.dma_semaphore, #tpu.memory_space<semaphore_mem>>)
          %dma_wait3A_241 = arith.constant 0 : i32
          %dma_wait3A_242 = arith.constant 0 : i32
          %dma_wait3A_243 = tpu.memref_slice %arg3[%select_n3A_80, %dma_wait3A_241, %dma_wait3A_242] : memref<26x128x128xf32, #tpu.memory_space<hbm>> -> memref<1x128x128xf32, #tpu.memory_space<hbm>>
          %dma_wait3A_244 = tpu.memref_squeeze %dma_wait3A_243 : memref<1x128x128xf32, #tpu.memory_space<hbm>> -> memref<128x128xf32, #tpu.memory_space<hbm>>
          %dma_wait3A_245 = arith.constant 0 : i32
          %dma_wait3A_246 = arith.constant 0 : i32
          %dma_wait3A_247 = tpu.memref_slice %arg3[%select_n3A_80, %dma_wait3A_245, %dma_wait3A_246] : memref<26x128x128xf32, #tpu.memory_space<hbm>> -> memref<1x128x128xf32, #tpu.memory_space<hbm>>
          %dma_wait3A_248 = tpu.memref_squeeze %dma_wait3A_247 : memref<1x128x128xf32, #tpu.memory_space<hbm>> -> memref<128x128xf32, #tpu.memory_space<hbm>>
          tpu.wait_dma2 semaphore(%run_scoped3A : memref<!tpu.dma_semaphore, #tpu.memory_space<semaphore_mem>>) src(%dma_wait3A_248 : memref<128x128xf32, #tpu.memory_space<hbm>>) dst(%arg8 : memref<128x128xf32, #tpu.memory_space<vmem>>)
          tpu.yield
        }) : () -> ()
        %dma_wait3A_140 = arith.constant 0 : i32
        %dma_wait3A_141 = tpu.memref_slice %arg7[%dma_wait3A_140] : memref<100000xf32, #tpu.memory_space<vmem>> -> memref<25000xf32, #tpu.memory_space<vmem>>
        %dma_wait3A_142 = arith.constant 0 : i32
        %dma_wait3A_143 = tpu.memref_slice %arg2[%select_n3A_80, %select_n3A_96, %dma_wait3A_142] : memref<26x32x100000xf32, #tpu.memory_space<hbm>> -> memref<1x1x25000xf32, #tpu.memory_space<hbm>>
        %dma_wait3A_144 = tpu.memref_squeeze %dma_wait3A_143 : memref<1x1x25000xf32, #tpu.memory_space<hbm>> -> memref<25000xf32, #tpu.memory_space<hbm>>
        %dma_wait3A_145 = arith.constant 0 : i32
        %dma_wait3A_146 = tpu.memref_slice %arg7[%dma_wait3A_145] : memref<100000xf32, #tpu.memory_space<vmem>> -> memref<25000xf32, #tpu.memory_space<vmem>>
        %dma_wait3A_147 = arith.constant 0 : i32
        %dma_wait3A_148 = tpu.memref_slice %arg2[%select_n3A_80, %select_n3A_96, %dma_wait3A_147] : memref<26x32x100000xf32, #tpu.memory_space<hbm>> -> memref<1x1x25000xf32, #tpu.memory_space<hbm>>
        %dma_wait3A_149 = tpu.memref_squeeze %dma_wait3A_148 : memref<1x1x25000xf32, #tpu.memory_space<hbm>> -> memref<25000xf32, #tpu.memory_space<hbm>>
        tpu.wait_dma2 semaphore(%arg10 : memref<!tpu.dma_semaphore, #tpu.memory_space<semaphore_mem>>) src(%dma_wait3A_149 : memref<25000xf32, #tpu.memory_space<hbm>>) dst(%dma_wait3A_146 : memref<25000xf32, #tpu.memory_space<vmem>>)
        %dma_wait3A_150 = arith.constant 25000 : i32
        %dma_wait3A_151 = tpu.memref_slice %arg7[%dma_wait3A_150] : memref<100000xf32, #tpu.memory_space<vmem>> -> memref<25000xf32, #tpu.memory_space<vmem>>
        %dma_wait3A_152 = arith.constant 25000 : i32
        %dma_wait3A_153 = tpu.memref_slice %arg2[%select_n3A_80, %select_n3A_96, %dma_wait3A_152] : memref<26x32x100000xf32, #tpu.memory_space<hbm>> -> memref<1x1x25000xf32, #tpu.memory_space<hbm>>
        %dma_wait3A_154 = tpu.memref_squeeze %dma_wait3A_153 : memref<1x1x25000xf32, #tpu.memory_space<hbm>> -> memref<25000xf32, #tpu.memory_space<hbm>>
        %dma_wait3A_155 = arith.constant 25000 : i32
        %dma_wait3A_156 = tpu.memref_slice %arg7[%dma_wait3A_155] : memref<100000xf32, #tpu.memory_space<vmem>> -> memref<25000xf32, #tpu.memory_space<vmem>>
        %dma_wait3A_157 = arith.constant 25000 : i32
        %dma_wait3A_158 = tpu.memref_slice %arg2[%select_n3A_80, %select_n3A_96, %dma_wait3A_157] : memref<26x32x100000xf32, #tpu.memory_space<hbm>> -> memref<1x1x25000xf32, #tpu.memory_space<hbm>>
        %dma_wait3A_159 = tpu.memref_squeeze %dma_wait3A_158 : memref<1x1x25000xf32, #tpu.memory_space<hbm>> -> memref<25000xf32, #tpu.memory_space<hbm>>
        tpu.wait_dma2 semaphore(%arg10 : memref<!tpu.dma_semaphore, #tpu.memory_space<semaphore_mem>>) src(%dma_wait3A_159 : memref<25000xf32, #tpu.memory_space<hbm>>) dst(%dma_wait3A_156 : memref<25000xf32, #tpu.memory_space<vmem>>)
        %dma_wait3A_160 = arith.constant 50000 : i32
        %dma_wait3A_161 = tpu.memref_slice %arg7[%dma_wait3A_160] : memref<100000xf32, #tpu.memory_space<vmem>> -> memref<25000xf32, #tpu.memory_space<vmem>>
        %dma_wait3A_162 = arith.constant 50000 : i32
        %dma_wait3A_163 = tpu.memref_slice %arg2[%select_n3A_80, %select_n3A_96, %dma_wait3A_162] : memref<26x32x100000xf32, #tpu.memory_space<hbm>> -> memref<1x1x25000xf32, #tpu.memory_space<hbm>>
        %dma_wait3A_164 = tpu.memref_squeeze %dma_wait3A_163 : memref<1x1x25000xf32, #tpu.memory_space<hbm>> -> memref<25000xf32, #tpu.memory_space<hbm>>
        %dma_wait3A_165 = arith.constant 50000 : i32
        %dma_wait3A_166 = tpu.memref_slice %arg7[%dma_wait3A_165] : memref<100000xf32, #tpu.memory_space<vmem>> -> memref<25000xf32, #tpu.memory_space<vmem>>
        %dma_wait3A_167 = arith.constant 50000 : i32
        %dma_wait3A_168 = tpu.memref_slice %arg2[%select_n3A_80, %select_n3A_96, %dma_wait3A_167] : memref<26x32x100000xf32, #tpu.memory_space<hbm>> -> memref<1x1x25000xf32, #tpu.memory_space<hbm>>
        %dma_wait3A_169 = tpu.memref_squeeze %dma_wait3A_168 : memref<1x1x25000xf32, #tpu.memory_space<hbm>> -> memref<25000xf32, #tpu.memory_space<hbm>>
        tpu.wait_dma2 semaphore(%arg10 : memref<!tpu.dma_semaphore, #tpu.memory_space<semaphore_mem>>) src(%dma_wait3A_169 : memref<25000xf32, #tpu.memory_space<hbm>>) dst(%dma_wait3A_166 : memref<25000xf32, #tpu.memory_space<vmem>>)
        %dma_wait3A_170 = arith.constant 75000 : i32
        %dma_wait3A_171 = tpu.memref_slice %arg7[%dma_wait3A_170] : memref<100000xf32, #tpu.memory_space<vmem>> -> memref<25000xf32, #tpu.memory_space<vmem>>
        %dma_wait3A_172 = arith.constant 75000 : i32
        %dma_wait3A_173 = tpu.memref_slice %arg2[%select_n3A_80, %select_n3A_96, %dma_wait3A_172] : memref<26x32x100000xf32, #tpu.memory_space<hbm>> -> memref<1x1x25000xf32, #tpu.memory_space<hbm>>
        %dma_wait3A_174 = tpu.memref_squeeze %dma_wait3A_173 : memref<1x1x25000xf32, #tpu.memory_space<hbm>> -> memref<25000xf32, #tpu.memory_space<hbm>>
        %dma_wait3A_175 = arith.constant 75000 : i32
        %dma_wait3A_176 = tpu.memref_slice %arg7[%dma_wait3A_175] : memref<100000xf32, #tpu.memory_space<vmem>> -> memref<25000xf32, #tpu.memory_space<vmem>>
        %dma_wait3A_177 = arith.constant 75000 : i32
        %dma_wait3A_178 = tpu.memref_slice %arg2[%select_n3A_80, %select_n3A_96, %dma_wait3A_177] : memref<26x32x100000xf32, #tpu.memory_space<hbm>> -> memref<1x1x25000xf32, #tpu.memory_space<hbm>>
        %dma_wait3A_179 = tpu.memref_squeeze %dma_wait3A_178 : memref<1x1x25000xf32, #tpu.memory_space<hbm>> -> memref<25000xf32, #tpu.memory_space<hbm>>
        tpu.wait_dma2 semaphore(%arg10 : memref<!tpu.dma_semaphore, #tpu.memory_space<semaphore_mem>>) src(%dma_wait3A_179 : memref<25000xf32, #tpu.memory_space<hbm>>) dst(%dma_wait3A_176 : memref<25000xf32, #tpu.memory_space<vmem>>)
        %scan3A_180 = arith.constant 0 : i32
        %scan3A_181 = arith.constant 128 : i32
        %scan3A_182 = arith.addi %scan3A_180, %scan3A_181 : i32
        %scan3A_183 = arith.constant 1 : i32
        scf.for %scan3A_233 = %scan3A_180 to %scan3A_182 step %scan3A_183  : i32 {
          %mul3A_234 = arith.constant 1 : i32
          %mul3A_235 = arith.muli %scan3A_233, %mul3A_234 : i32
          %add3A_236 = arith.constant 0 : i32
          %add3A_237 = arith.addi %add3A_236, %mul3A_235 : i32
          %get3A = arith.index_cast %add3A_237 : i32 to index
          %get3A_238 = arith.constant 0 : index
          %get3A_239 = tpu.vector_load %arg8[%get3A, %get3A_238] {strides = array<i32>} : memref<128x128xf32, #tpu.memory_space<vmem>>, vector<16xf32>,
          %bitcast3A = vector.bitcast %get3A_239 : vector<16xf32> to vector<16xi32>
          %gather3A = tpu.vector_load_idx %arg7[%bitcast3A] : memref<100000xf32, #tpu.memory_space<vmem>>[vector<16xi32>], vector<16xf32>,
          %swap3A = arith.index_cast %add3A_237 : i32 to index
          %swap3A_240 = arith.constant 0 : index
          %swap3A_241 = tpu.vector_load %arg8[%swap3A, %swap3A_240] {strides = array<i32>} : memref<128x128xf32, #tpu.memory_space<vmem>>, vector<16xf32>,
          tpu.vector_store %arg8[%swap3A, %swap3A_240], %gather3A {strides = array<i32>} : memref<128x128xf32, #tpu.memory_space<vmem>>, vector<16xf32>,
          %get3A_242 = arith.index_cast %add3A_237 : i32 to index
          %get3A_243 = arith.constant 16 : index
          %get3A_244 = tpu.vector_load %arg8[%get3A_242, %get3A_243] {strides = array<i32>} : memref<128x128xf32, #tpu.memory_space<vmem>>, vector<16xf32>,
          %bitcast3A_245 = vector.bitcast %get3A_244 : vector<16xf32> to vector<16xi32>
          %gather3A_246 = tpu.vector_load_idx %arg7[%bitcast3A_245] : memref<100000xf32, #tpu.memory_space<vmem>>[vector<16xi32>], vector<16xf32>,
          %swap3A_247 = arith.index_cast %add3A_237 : i32 to index
          %swap3A_248 = arith.constant 16 : index
          %swap3A_249 = tpu.vector_load %arg8[%swap3A_247, %swap3A_248] {strides = array<i32>} : memref<128x128xf32, #tpu.memory_space<vmem>>, vector<16xf32>,
          tpu.vector_store %arg8[%swap3A_247, %swap3A_248], %gather3A_246 {strides = array<i32>} : memref<128x128xf32, #tpu.memory_space<vmem>>, vector<16xf32>,
          %get3A_250 = arith.index_cast %add3A_237 : i32 to index
          %get3A_251 = arith.constant 32 : index
          %get3A_252 = tpu.vector_load %arg8[%get3A_250, %get3A_251] {strides = array<i32>} : memref<128x128xf32, #tpu.memory_space<vmem>>, vector<16xf32>,
          %bitcast3A_253 = vector.bitcast %get3A_252 : vector<16xf32> to vector<16xi32>
          %gather3A_254 = tpu.vector_load_idx %arg7[%bitcast3A_253] : memref<100000xf32, #tpu.memory_space<vmem>>[vector<16xi32>], vector<16xf32>,
          %swap3A_255 = arith.index_cast %add3A_237 : i32 to index
          %swap3A_256 = arith.constant 32 : index
          %swap3A_257 = tpu.vector_load %arg8[%swap3A_255, %swap3A_256] {strides = array<i32>} : memref<128x128xf32, #tpu.memory_space<vmem>>, vector<16xf32>,
          tpu.vector_store %arg8[%swap3A_255, %swap3A_256], %gather3A_254 {strides = array<i32>} : memref<128x128xf32, #tpu.memory_space<vmem>>, vector<16xf32>,
          %get3A_258 = arith.index_cast %add3A_237 : i32 to index
          %get3A_259 = arith.constant 48 : index
          %get3A_260 = tpu.vector_load %arg8[%get3A_258, %get3A_259] {strides = array<i32>} : memref<128x128xf32, #tpu.memory_space<vmem>>, vector<16xf32>,
          %bitcast3A_261 = vector.bitcast %get3A_260 : vector<16xf32> to vector<16xi32>
          %gather3A_262 = tpu.vector_load_idx %arg7[%bitcast3A_261] : memref<100000xf32, #tpu.memory_space<vmem>>[vector<16xi32>], vector<16xf32>,
          %swap3A_263 = arith.index_cast %add3A_237 : i32 to index
          %swap3A_264 = arith.constant 48 : index
          %swap3A_265 = tpu.vector_load %arg8[%swap3A_263, %swap3A_264] {strides = array<i32>} : memref<128x128xf32, #tpu.memory_space<vmem>>, vector<16xf32>,
          tpu.vector_store %arg8[%swap3A_263, %swap3A_264], %gather3A_262 {strides = array<i32>} : memref<128x128xf32, #tpu.memory_space<vmem>>, vector<16xf32>,
          %get3A_266 = arith.index_cast %add3A_237 : i32 to index
          %get3A_267 = arith.constant 64 : index
          %get3A_268 = tpu.vector_load %arg8[%get3A_266, %get3A_267] {strides = array<i32>} : memref<128x128xf32, #tpu.memory_space<vmem>>, vector<16xf32>,
          %bitcast3A_269 = vector.bitcast %get3A_268 : vector<16xf32> to vector<16xi32>
          %gather3A_270 = tpu.vector_load_idx %arg7[%bitcast3A_269] : memref<100000xf32, #tpu.memory_space<vmem>>[vector<16xi32>], vector<16xf32>,
          %swap3A_271 = arith.index_cast %add3A_237 : i32 to index
          %swap3A_272 = arith.constant 64 : index
          %swap3A_273 = tpu.vector_load %arg8[%swap3A_271, %swap3A_272] {strides = array<i32>} : memref<128x128xf32, #tpu.memory_space<vmem>>, vector<16xf32>,
          tpu.vector_store %arg8[%swap3A_271, %swap3A_272], %gather3A_270 {strides = array<i32>} : memref<128x128xf32, #tpu.memory_space<vmem>>, vector<16xf32>,
          %get3A_274 = arith.index_cast %add3A_237 : i32 to index
          %get3A_275 = arith.constant 80 : index
          %get3A_276 = tpu.vector_load %arg8[%get3A_274, %get3A_275] {strides = array<i32>} : memref<128x128xf32, #tpu.memory_space<vmem>>, vector<16xf32>,
          %bitcast3A_277 = vector.bitcast %get3A_276 : vector<16xf32> to vector<16xi32>
          %gather3A_278 = tpu.vector_load_idx %arg7[%bitcast3A_277] : memref<100000xf32, #tpu.memory_space<vmem>>[vector<16xi32>], vector<16xf32>,
          %swap3A_279 = arith.index_cast %add3A_237 : i32 to index
          %swap3A_280 = arith.constant 80 : index
          %swap3A_281 = tpu.vector_load %arg8[%swap3A_279, %swap3A_280] {strides = array<i32>} : memref<128x128xf32, #tpu.memory_space<vmem>>, vector<16xf32>,
          tpu.vector_store %arg8[%swap3A_279, %swap3A_280], %gather3A_278 {strides = array<i32>} : memref<128x128xf32, #tpu.memory_space<vmem>>, vector<16xf32>,
          %get3A_282 = arith.index_cast %add3A_237 : i32 to index
          %get3A_283 = arith.constant 96 : index
          %get3A_284 = tpu.vector_load %arg8[%get3A_282, %get3A_283] {strides = array<i32>} : memref<128x128xf32, #tpu.memory_space<vmem>>, vector<16xf32>,
          %bitcast3A_285 = vector.bitcast %get3A_284 : vector<16xf32> to vector<16xi32>
          %gather3A_286 = tpu.vector_load_idx %arg7[%bitcast3A_285] : memref<100000xf32, #tpu.memory_space<vmem>>[vector<16xi32>], vector<16xf32>,
          %swap3A_287 = arith.index_cast %add3A_237 : i32 to index
          %swap3A_288 = arith.constant 96 : index
          %swap3A_289 = tpu.vector_load %arg8[%swap3A_287, %swap3A_288] {strides = array<i32>} : memref<128x128xf32, #tpu.memory_space<vmem>>, vector<16xf32>,
          tpu.vector_store %arg8[%swap3A_287, %swap3A_288], %gather3A_286 {strides = array<i32>} : memref<128x128xf32, #tpu.memory_space<vmem>>, vector<16xf32>,
          %get3A_290 = arith.index_cast %add3A_237 : i32 to index
          %get3A_291 = arith.constant 112 : index
          %get3A_292 = tpu.vector_load %arg8[%get3A_290, %get3A_291] {strides = array<i32>} : memref<128x128xf32, #tpu.memory_space<vmem>>, vector<16xf32>,
          %bitcast3A_293 = vector.bitcast %get3A_292 : vector<16xf32> to vector<16xi32>
          %gather3A_294 = tpu.vector_load_idx %arg7[%bitcast3A_293] : memref<100000xf32, #tpu.memory_space<vmem>>[vector<16xi32>], vector<16xf32>,
          %swap3A_295 = arith.index_cast %add3A_237 : i32 to index
          %swap3A_296 = arith.constant 112 : index
          %swap3A_297 = tpu.vector_load %arg8[%swap3A_295, %swap3A_296] {strides = array<i32>} : memref<128x128xf32, #tpu.memory_space<vmem>>, vector<16xf32>,
          tpu.vector_store %arg8[%swap3A_295, %swap3A_296], %gather3A_294 {strides = array<i32>} : memref<128x128xf32, #tpu.memory_space<vmem>>, vector<16xf32>,
        }
        %scan3A_184 = arith.constant 128 : i32
        %jit3A_185 = arith.constant 8 : i32
        %div3A_186 = arith.divsi %add3A_49, %jit3A_185 : i32
        %sign3A_187 = arith.constant 0 : i32
        %sign3A_188 = arith.cmpi sgt, %add3A_49, %sign3A_187 : i32
        %sign3A_189 = arith.extui %sign3A_188 : i1 to i32
        %sign3A_190 = arith.constant 0 : i32
        %sign3A_191 = arith.cmpi slt, %add3A_49, %sign3A_190 : i32
        %sign3A_192 = arith.extui %sign3A_191 : i1 to i32
        %sign3A_193 = arith.subi %sign3A_189, %sign3A_192 : i32
        %sign3A_194 = arith.constant 0 : i32
        %sign3A_195 = arith.cmpi sgt, %jit3A_185, %sign3A_194 : i32
        %sign3A_196 = arith.extui %sign3A_195 : i1 to i32
        %sign3A_197 = arith.constant 0 : i32
        %sign3A_198 = arith.cmpi slt, %jit3A_185, %sign3A_197 : i32
        %sign3A_199 = arith.extui %sign3A_198 : i1 to i32
        %sign3A_200 = arith.subi %sign3A_196, %sign3A_199 : i32
        %ne3A_201 = arith.cmpi ne, %sign3A_193, %sign3A_200 : i32
        %rem3A_202 = arith.remsi %add3A_49, %jit3A_185 : i32
        %ne3A_203 = arith.constant 0 : i32
        %ne3A_204 = arith.cmpi ne, %rem3A_202, %ne3A_203 : i32
        %and3A_205 = arith.andi %ne3A_201, %ne3A_204 : i1
        %sub3A_206 = arith.constant 1 : i32
        %sub3A_207 = arith.subi %div3A_186, %sub3A_206 : i32
        %select_n3A_208 = arith.select %and3A_205, %sub3A_207, %div3A_186 : i32
        %jit3A_209 = arith.constant 8 : i32
        %eq3A_210 = arith.constant 0 : i32
        %eq3A_211 = arith.cmpi eq, %jit3A_209, %eq3A_210 : i32
        %jit3A_212 = arith.constant 1 : i32
        %select_n3A_213 = arith.select %eq3A_211, %jit3A_212, %jit3A_209 : i32
        %rem3A_214 = arith.remsi %add3A_49, %select_n3A_213 : i32
        %ne3A_215 = arith.constant 0 : i32
        %ne3A_216 = arith.cmpi ne, %rem3A_214, %ne3A_215 : i32
        %lt3A_217 = arith.constant 0 : i32
        %lt3A_218 = arith.cmpi slt, %rem3A_214, %lt3A_217 : i32
        %lt3A_219 = arith.constant 0 : i32
        %lt3A_220 = arith.cmpi slt, %select_n3A_213, %lt3A_219 : i32
        %ne3A_221 = arith.xori %lt3A_218, %lt3A_220 : i1
        %and3A_222 = arith.andi %ne3A_221, %ne3A_216 : i1
        %add3A_223 = arith.addi %rem3A_214, %select_n3A_213 : i32
        %select_n3A_224 = arith.select %and3A_222, %add3A_223, %rem3A_214 : i32
        %mul3A_225 = arith.constant 128 : i32
        %mul3A_226 = arith.muli %select_n3A_224, %mul3A_225 : i32
        %dma_start3A_227 = arith.constant 0 : i32
        %dma_start3A_228 = tpu.memref_slice %arg6[%select_n3A_208, %dma_start3A_227, %mul3A_226] : memref<156x128x1024xf32, #tpu.memory_space<hbm>> -> memref<1x128x128xf32, #tpu.memory_space<hbm>>
        %dma_start3A_229 = tpu.memref_squeeze %dma_start3A_228 : memref<1x128x128xf32, #tpu.memory_space<hbm>> -> memref<128x128xf32, #tpu.memory_space<hbm>>
        %dma_start3A_230 = arith.constant 0 : i32
        %dma_start3A_231 = tpu.memref_slice %arg6[%select_n3A_208, %dma_start3A_230, %mul3A_226] : memref<156x128x1024xf32, #tpu.memory_space<hbm>> -> memref<1x128x128xf32, #tpu.memory_space<hbm>>
        %dma_start3A_232 = tpu.memref_squeeze %dma_start3A_231 : memref<1x128x128xf32, #tpu.memory_space<hbm>> -> memref<128x128xf32, #tpu.memory_space<hbm>>
        tpu.enqueue_dma source(%arg8 : memref<128x128xf32, #tpu.memory_space<vmem>>) target(%dma_start3A_232 : memref<128x128xf32, #tpu.memory_space<hbm>>) target_semaphore(%arg11 : memref<!tpu.dma_semaphore, #tpu.memory_space<semaphore_mem>>)
      } else {
      }
      %not3A = arith.constant true
      %not3A_53 = arith.xori %lt3A_51, %not3A : i1
      %convert_element_type3A_54 = arith.extui %not3A_53 : i1 to i32
      %cond3A_55 = arith.constant 0 : i32
      %cond3A_56 = arith.cmpi ne, %convert_element_type3A_54, %cond3A_55 : i32
      scf.if %cond3A_56 {
        %sub3A_57 = arith.constant 832 : i32
        %sub3A_58 = arith.subi %add3A_49, %sub3A_57 : i32
        %jit3A_59 = arith.constant 32 : i32
        %div3A_60 = arith.divsi %sub3A_58, %jit3A_59 : i32
        %sign3A_61 = arith.constant 0 : i32
        %sign3A_62 = arith.cmpi sgt, %sub3A_58, %sign3A_61 : i32
        %sign3A_63 = arith.extui %sign3A_62 : i1 to i32
        %sign3A_64 = arith.constant 0 : i32
        %sign3A_65 = arith.cmpi slt, %sub3A_58, %sign3A_64 : i32
        %sign3A_66 = arith.extui %sign3A_65 : i1 to i32
        %sign3A_67 = arith.subi %sign3A_63, %sign3A_66 : i32
        %sign3A_68 = arith.constant 0 : i32
        %sign3A_69 = arith.cmpi sgt, %jit3A_59, %sign3A_68 : i32
        %sign3A_70 = arith.extui %sign3A_69 : i1 to i32
        %sign3A_71 = arith.constant 0 : i32
        %sign3A_72 = arith.cmpi slt, %jit3A_59, %sign3A_71 : i32
        %sign3A_73 = arith.extui %sign3A_72 : i1 to i32
        %sign3A_74 = arith.subi %sign3A_70, %sign3A_73 : i32
        %ne3A_75 = arith.cmpi ne, %sign3A_67, %sign3A_74 : i32
        %rem3A_76 = arith.remsi %sub3A_58, %jit3A_59 : i32
        %ne3A_77 = arith.constant 0 : i32
        %ne3A_78 = arith.cmpi ne, %rem3A_76, %ne3A_77 : i32
        %and3A_79 = arith.andi %ne3A_75, %ne3A_78 : i1
        %sub3A_80 = arith.constant 1 : i32
        %sub3A_81 = arith.subi %div3A_60, %sub3A_80 : i32
        %select_n3A_82 = arith.select %and3A_79, %sub3A_81, %div3A_60 : i32
        %jit3A_83 = arith.constant 32 : i32
        %eq3A_84 = arith.constant 0 : i32
        %eq3A_85 = arith.cmpi eq, %jit3A_83, %eq3A_84 : i32
        %jit3A_86 = arith.constant 1 : i32
        %select_n3A_87 = arith.select %eq3A_85, %jit3A_86, %jit3A_83 : i32
        %rem3A_88 = arith.remsi %sub3A_58, %select_n3A_87 : i32
        %ne3A_89 = arith.constant 0 : i32
        %ne3A_90 = arith.cmpi ne, %rem3A_88, %ne3A_89 : i32
        %lt3A_91 = arith.constant 0 : i32
        %lt3A_92 = arith.cmpi slt, %rem3A_88, %lt3A_91 : i32
        %lt3A_93 = arith.constant 0 : i32
        %lt3A_94 = arith.cmpi slt, %select_n3A_87, %lt3A_93 : i32
        %ne3A_95 = arith.xori %lt3A_92, %lt3A_94 : i1
        %and3A_96 = arith.andi %ne3A_95, %ne3A_90 : i1
        %add3A_97 = arith.addi %rem3A_88, %select_n3A_87 : i32
        %select_n3A_98 = arith.select %and3A_96, %add3A_97, %rem3A_88 : i32
        %gt3A = arith.constant 0 : i32
        %gt3A_99 = arith.cmpi sgt, %add3A_48, %gt3A : i32
        %convert_element_type3A_100 = arith.extui %gt3A_99 : i1 to i32
        %cond3A_101 = arith.constant 0 : i32
        %cond3A_102 = arith.cmpi ne, %convert_element_type3A_100, %cond3A_101 : i32
        scf.if %cond3A_102 {
          %jit3A_156 = arith.constant 8 : i32
          %div3A_157 = arith.divsi %add3A_49, %jit3A_156 : i32
          %sign3A_158 = arith.constant 0 : i32
          %sign3A_159 = arith.cmpi sgt, %add3A_49, %sign3A_158 : i32
          %sign3A_160 = arith.extui %sign3A_159 : i1 to i32
          %sign3A_161 = arith.constant 0 : i32
          %sign3A_162 = arith.cmpi slt, %add3A_49, %sign3A_161 : i32
          %sign3A_163 = arith.extui %sign3A_162 : i1 to i32
          %sign3A_164 = arith.subi %sign3A_160, %sign3A_163 : i32
          %sign3A_165 = arith.constant 0 : i32
          %sign3A_166 = arith.cmpi sgt, %jit3A_156, %sign3A_165 : i32
          %sign3A_167 = arith.extui %sign3A_166 : i1 to i32
          %sign3A_168 = arith.constant 0 : i32
          %sign3A_169 = arith.cmpi slt, %jit3A_156, %sign3A_168 : i32
          %sign3A_170 = arith.extui %sign3A_169 : i1 to i32
          %sign3A_171 = arith.subi %sign3A_167, %sign3A_170 : i32
          %ne3A_172 = arith.cmpi ne, %sign3A_164, %sign3A_171 : i32
          %rem3A_173 = arith.remsi %add3A_49, %jit3A_156 : i32
          %ne3A_174 = arith.constant 0 : i32
          %ne3A_175 = arith.cmpi ne, %rem3A_173, %ne3A_174 : i32
          %and3A_176 = arith.andi %ne3A_172, %ne3A_175 : i1
          %sub3A_177 = arith.constant 1 : i32
          %sub3A_178 = arith.subi %div3A_157, %sub3A_177 : i32
          %select_n3A_179 = arith.select %and3A_176, %sub3A_178, %div3A_157 : i32
          %jit3A_180 = arith.constant 8 : i32
          %eq3A_181 = arith.constant 0 : i32
          %eq3A_182 = arith.cmpi eq, %jit3A_180, %eq3A_181 : i32
          %jit3A_183 = arith.constant 1 : i32
          %select_n3A_184 = arith.select %eq3A_182, %jit3A_183, %jit3A_180 : i32
          %rem3A_185 = arith.remsi %add3A_49, %select_n3A_184 : i32
          %ne3A_186 = arith.constant 0 : i32
          %ne3A_187 = arith.cmpi ne, %rem3A_185, %ne3A_186 : i32
          %lt3A_188 = arith.constant 0 : i32
          %lt3A_189 = arith.cmpi slt, %rem3A_185, %lt3A_188 : i32
          %lt3A_190 = arith.constant 0 : i32
          %lt3A_191 = arith.cmpi slt, %select_n3A_184, %lt3A_190 : i32
          %ne3A_192 = arith.xori %lt3A_189, %lt3A_191 : i1
          %and3A_193 = arith.andi %ne3A_192, %ne3A_187 : i1
          %add3A_194 = arith.addi %rem3A_185, %select_n3A_184 : i32
          %select_n3A_195 = arith.select %and3A_193, %add3A_194, %rem3A_185 : i32
          %mul3A_196 = arith.constant 128 : i32
          %mul3A_197 = arith.muli %select_n3A_195, %mul3A_196 : i32
          %dma_wait3A_198 = arith.constant 0 : i32
          %dma_wait3A_199 = tpu.memref_slice %arg6[%select_n3A_179, %dma_wait3A_198, %mul3A_197] : memref<156x128x1024xf32, #tpu.memory_space<hbm>> -> memref<1x128x128xf32, #tpu.memory_space<hbm>>
          %dma_wait3A_200 = tpu.memref_squeeze %dma_wait3A_199 : memref<1x128x128xf32, #tpu.memory_space<hbm>> -> memref<128x128xf32, #tpu.memory_space<hbm>>
          %dma_wait3A_201 = arith.constant 0 : i32
          %dma_wait3A_202 = tpu.memref_slice %arg6[%select_n3A_179, %dma_wait3A_201, %mul3A_197] : memref<156x128x1024xf32, #tpu.memory_space<hbm>> -> memref<1x128x128xf32, #tpu.memory_space<hbm>>
          %dma_wait3A_203 = tpu.memref_squeeze %dma_wait3A_202 : memref<1x128x128xf32, #tpu.memory_space<hbm>> -> memref<128x128xf32, #tpu.memory_space<hbm>>
          tpu.wait_dma2 semaphore(%arg11 : memref<!tpu.dma_semaphore, #tpu.memory_space<semaphore_mem>>) src(%arg8 : memref<128x128xf32, #tpu.memory_space<vmem>>) dst(%dma_wait3A_203 : memref<128x128xf32, #tpu.memory_space<hbm>>)
        } else {
        }
        "tpu.region"() ({
          %run_scoped3A = tpu.sem_alloc : memref<!tpu.dma_semaphore, #tpu.memory_space<semaphore_mem>>
          %dma_start3A_156 = arith.constant 0 : i32
          %dma_start3A_157 = arith.constant 0 : i32
          %dma_start3A_158 = tpu.memref_slice %arg4[%select_n3A_82, %dma_start3A_156, %dma_start3A_157] : memref<13x128x128xf32, #tpu.memory_space<hbm>> -> memref<1x128x128xf32, #tpu.memory_space<hbm>>
          %dma_start3A_159 = tpu.memref_squeeze %dma_start3A_158 : memref<1x128x128xf32, #tpu.memory_space<hbm>> -> memref<128x128xf32, #tpu.memory_space<hbm>>
          %dma_start3A_160 = arith.constant 0 : i32
          %dma_start3A_161 = arith.constant 0 : i32
          %dma_start3A_162 = tpu.memref_slice %arg4[%select_n3A_82, %dma_start3A_160, %dma_start3A_161] : memref<13x128x128xf32, #tpu.memory_space<hbm>> -> memref<1x128x128xf32, #tpu.memory_space<hbm>>
          %dma_start3A_163 = tpu.memref_squeeze %dma_start3A_162 : memref<1x128x128xf32, #tpu.memory_space<hbm>> -> memref<128x128xf32, #tpu.memory_space<hbm>>
          tpu.enqueue_dma source(%dma_start3A_163 : memref<128x128xf32, #tpu.memory_space<hbm>>) target(%arg8 : memref<128x128xf32, #tpu.memory_space<vmem>>) target_semaphore(%run_scoped3A : memref<!tpu.dma_semaphore, #tpu.memory_space<semaphore_mem>>)
          %dma_wait3A_164 = arith.constant 0 : i32
          %dma_wait3A_165 = arith.constant 0 : i32
          %dma_wait3A_166 = tpu.memref_slice %arg4[%select_n3A_82, %dma_wait3A_164, %dma_wait3A_165] : memref<13x128x128xf32, #tpu.memory_space<hbm>> -> memref<1x128x128xf32, #tpu.memory_space<hbm>>
          %dma_wait3A_167 = tpu.memref_squeeze %dma_wait3A_166 : memref<1x128x128xf32, #tpu.memory_space<hbm>> -> memref<128x128xf32, #tpu.memory_space<hbm>>
          %dma_wait3A_168 = arith.constant 0 : i32
          %dma_wait3A_169 = arith.constant 0 : i32
          %dma_wait3A_170 = tpu.memref_slice %arg4[%select_n3A_82, %dma_wait3A_168, %dma_wait3A_169] : memref<13x128x128xf32, #tpu.memory_space<hbm>> -> memref<1x128x128xf32, #tpu.memory_space<hbm>>
          %dma_wait3A_171 = tpu.memref_squeeze %dma_wait3A_170 : memref<1x128x128xf32, #tpu.memory_space<hbm>> -> memref<128x128xf32, #tpu.memory_space<hbm>>
          tpu.wait_dma2 semaphore(%run_scoped3A : memref<!tpu.dma_semaphore, #tpu.memory_space<semaphore_mem>>) src(%dma_wait3A_171 : memref<128x128xf32, #tpu.memory_space<hbm>>) dst(%arg8 : memref<128x128xf32, #tpu.memory_space<vmem>>)
          tpu.yield
        }) : () -> ()
        %broadcast_in_dim3A = vector.broadcast %select_n3A_82 : i32 to vector<16xi32>
        %broadcast_in_dim3A_103 = vector.broadcast %select_n3A_98 : i32 to vector<16xi32>
        %gather3A = tpu.vector_load_idx %arg9[%broadcast_in_dim3A, %broadcast_in_dim3A_103] : memref<13x32xf32, #tpu.memory_space<vmem>>[vector<16xi32>, vector<16xi32>], vector<16xf32>,
        %scan3A_104 = arith.constant 0 : i32
        %scan3A_105 = arith.constant 128 : i32
        %scan3A_106 = arith.addi %scan3A_104, %scan3A_105 : i32
        %scan3A_107 = arith.constant 1 : i32
        scf.for %scan3A_156 = %scan3A_104 to %scan3A_106 step %scan3A_107  : i32 {
          %mul3A_157 = arith.constant 1 : i32
          %mul3A_158 = arith.muli %scan3A_156, %mul3A_157 : i32
          %add3A_159 = arith.constant 0 : i32
          %add3A_160 = arith.addi %add3A_159, %mul3A_158 : i32
          %get3A = arith.index_cast %add3A_160 : i32 to index
          %get3A_161 = arith.constant 0 : index
          %get3A_162 = tpu.vector_load %arg8[%get3A, %get3A_161] {strides = array<i32>} : memref<128x128xf32, #tpu.memory_space<vmem>>, vector<16xf32>,
          %mul3A_163 = arith.mulf %get3A_162, %gather3A : vector<16xf32>
          %swap3A = arith.index_cast %add3A_160 : i32 to index
          %swap3A_164 = arith.constant 0 : index
          %swap3A_165 = tpu.vector_load %arg8[%swap3A, %swap3A_164] {strides = array<i32>} : memref<128x128xf32, #tpu.memory_space<vmem>>, vector<16xf32>,
          tpu.vector_store %arg8[%swap3A, %swap3A_164], %mul3A_163 {strides = array<i32>} : memref<128x128xf32, #tpu.memory_space<vmem>>, vector<16xf32>,
          %get3A_166 = arith.index_cast %add3A_160 : i32 to index
          %get3A_167 = arith.constant 16 : index
          %get3A_168 = tpu.vector_load %arg8[%get3A_166, %get3A_167] {strides = array<i32>} : memref<128x128xf32, #tpu.memory_space<vmem>>, vector<16xf32>,
          %mul3A_169 = arith.mulf %get3A_168, %gather3A : vector<16xf32>
          %swap3A_170 = arith.index_cast %add3A_160 : i32 to index
          %swap3A_171 = arith.constant 16 : index
          %swap3A_172 = tpu.vector_load %arg8[%swap3A_170, %swap3A_171] {strides = array<i32>} : memref<128x128xf32, #tpu.memory_space<vmem>>, vector<16xf32>,
          tpu.vector_store %arg8[%swap3A_170, %swap3A_171], %mul3A_169 {strides = array<i32>} : memref<128x128xf32, #tpu.memory_space<vmem>>, vector<16xf32>,
          %get3A_173 = arith.index_cast %add3A_160 : i32 to index
          %get3A_174 = arith.constant 32 : index
          %get3A_175 = tpu.vector_load %arg8[%get3A_173, %get3A_174] {strides = array<i32>} : memref<128x128xf32, #tpu.memory_space<vmem>>, vector<16xf32>,
          %mul3A_176 = arith.mulf %get3A_175, %gather3A : vector<16xf32>
          %swap3A_177 = arith.index_cast %add3A_160 : i32 to index
          %swap3A_178 = arith.constant 32 : index
          %swap3A_179 = tpu.vector_load %arg8[%swap3A_177, %swap3A_178] {strides = array<i32>} : memref<128x128xf32, #tpu.memory_space<vmem>>, vector<16xf32>,
          tpu.vector_store %arg8[%swap3A_177, %swap3A_178], %mul3A_176 {strides = array<i32>} : memref<128x128xf32, #tpu.memory_space<vmem>>, vector<16xf32>,
          %get3A_180 = arith.index_cast %add3A_160 : i32 to index
          %get3A_181 = arith.constant 48 : index
          %get3A_182 = tpu.vector_load %arg8[%get3A_180, %get3A_181] {strides = array<i32>} : memref<128x128xf32, #tpu.memory_space<vmem>>, vector<16xf32>,
          %mul3A_183 = arith.mulf %get3A_182, %gather3A : vector<16xf32>
          %swap3A_184 = arith.index_cast %add3A_160 : i32 to index
          %swap3A_185 = arith.constant 48 : index
          %swap3A_186 = tpu.vector_load %arg8[%swap3A_184, %swap3A_185] {strides = array<i32>} : memref<128x128xf32, #tpu.memory_space<vmem>>, vector<16xf32>,
          tpu.vector_store %arg8[%swap3A_184, %swap3A_185], %mul3A_183 {strides = array<i32>} : memref<128x128xf32, #tpu.memory_space<vmem>>, vector<16xf32>,
          %get3A_187 = arith.index_cast %add3A_160 : i32 to index
          %get3A_188 = arith.constant 64 : index
          %get3A_189 = tpu.vector_load %arg8[%get3A_187, %get3A_188] {strides = array<i32>} : memref<128x128xf32, #tpu.memory_space<vmem>>, vector<16xf32>,
          %mul3A_190 = arith.mulf %get3A_189, %gather3A : vector<16xf32>
          %swap3A_191 = arith.index_cast %add3A_160 : i32 to index
          %swap3A_192 = arith.constant 64 : index
          %swap3A_193 = tpu.vector_load %arg8[%swap3A_191, %swap3A_192] {strides = array<i32>} : memref<128x128xf32, #tpu.memory_space<vmem>>, vector<16xf32>,
          tpu.vector_store %arg8[%swap3A_191, %swap3A_192], %mul3A_190 {strides = array<i32>} : memref<128x128xf32, #tpu.memory_space<vmem>>, vector<16xf32>,
          %get3A_194 = arith.index_cast %add3A_160 : i32 to index
          %get3A_195 = arith.constant 80 : index
          %get3A_196 = tpu.vector_load %arg8[%get3A_194, %get3A_195] {strides = array<i32>} : memref<128x128xf32, #tpu.memory_space<vmem>>, vector<16xf32>,
          %mul3A_197 = arith.mulf %get3A_196, %gather3A : vector<16xf32>
          %swap3A_198 = arith.index_cast %add3A_160 : i32 to index
          %swap3A_199 = arith.constant 80 : index
          %swap3A_200 = tpu.vector_load %arg8[%swap3A_198, %swap3A_199] {strides = array<i32>} : memref<128x128xf32, #tpu.memory_space<vmem>>, vector<16xf32>,
          tpu.vector_store %arg8[%swap3A_198, %swap3A_199], %mul3A_197 {strides = array<i32>} : memref<128x128xf32, #tpu.memory_space<vmem>>, vector<16xf32>,
          %get3A_201 = arith.index_cast %add3A_160 : i32 to index
          %get3A_202 = arith.constant 96 : index
          %get3A_203 = tpu.vector_load %arg8[%get3A_201, %get3A_202] {strides = array<i32>} : memref<128x128xf32, #tpu.memory_space<vmem>>, vector<16xf32>,
          %mul3A_204 = arith.mulf %get3A_203, %gather3A : vector<16xf32>
          %swap3A_205 = arith.index_cast %add3A_160 : i32 to index
          %swap3A_206 = arith.constant 96 : index
          %swap3A_207 = tpu.vector_load %arg8[%swap3A_205, %swap3A_206] {strides = array<i32>} : memref<128x128xf32, #tpu.memory_space<vmem>>, vector<16xf32>,
          tpu.vector_store %arg8[%swap3A_205, %swap3A_206], %mul3A_204 {strides = array<i32>} : memref<128x128xf32, #tpu.memory_space<vmem>>, vector<16xf32>,
          %get3A_208 = arith.index_cast %add3A_160 : i32 to index
          %get3A_209 = arith.constant 112 : index
          %get3A_210 = tpu.vector_load %arg8[%get3A_208, %get3A_209] {strides = array<i32>} : memref<128x128xf32, #tpu.memory_space<vmem>>, vector<16xf32>,
          %mul3A_211 = arith.mulf %get3A_210, %gather3A : vector<16xf32>
          %swap3A_212 = arith.index_cast %add3A_160 : i32 to index
          %swap3A_213 = arith.constant 112 : index
          %swap3A_214 = tpu.vector_load %arg8[%swap3A_212, %swap3A_213] {strides = array<i32>} : memref<128x128xf32, #tpu.memory_space<vmem>>, vector<16xf32>,
          tpu.vector_store %arg8[%swap3A_212, %swap3A_213], %mul3A_211 {strides = array<i32>} : memref<128x128xf32, #tpu.memory_space<vmem>>, vector<16xf32>,
        }
        %scan3A_108 = arith.constant 128 : i32
        %jit3A_109 = arith.constant 8 : i32
        %div3A_110 = arith.divsi %add3A_49, %jit3A_109 : i32
        %sign3A_111 = arith.constant 0 : i32
        %sign3A_112 = arith.cmpi sgt, %add3A_49, %sign3A_111 : i32
        %sign3A_113 = arith.extui %sign3A_112 : i1 to i32
        %sign3A_114 = arith.constant 0 : i32
        %sign3A_115 = arith.cmpi slt, %add3A_49, %sign3A_114 : i32
        %sign3A_116 = arith.extui %sign3A_115 : i1 to i32
        %sign3A_117 = arith.subi %sign3A_113, %sign3A_116 : i32
        %sign3A_118 = arith.constant 0 : i32
        %sign3A_119 = arith.cmpi sgt, %jit3A_109, %sign3A_118 : i32
        %sign3A_120 = arith.extui %sign3A_119 : i1 to i32
        %sign3A_121 = arith.constant 0 : i32
        %sign3A_122 = arith.cmpi slt, %jit3A_109, %sign3A_121 : i32
        %sign3A_123 = arith.extui %sign3A_122 : i1 to i32
        %sign3A_124 = arith.subi %sign3A_120, %sign3A_123 : i32
        %ne3A_125 = arith.cmpi ne, %sign3A_117, %sign3A_124 : i32
        %rem3A_126 = arith.remsi %add3A_49, %jit3A_109 : i32
        %ne3A_127 = arith.constant 0 : i32
        %ne3A_128 = arith.cmpi ne, %rem3A_126, %ne3A_127 : i32
        %and3A_129 = arith.andi %ne3A_125, %ne3A_128 : i1
        %sub3A_130 = arith.constant 1 : i32
        %sub3A_131 = arith.subi %div3A_110, %sub3A_130 : i32
        %select_n3A_132 = arith.select %and3A_129, %sub3A_131, %div3A_110 : i32
        %jit3A_133 = arith.constant 8 : i32
        %eq3A_134 = arith.constant 0 : i32
        %eq3A_135 = arith.cmpi eq, %jit3A_133, %eq3A_134 : i32
        %jit3A_136 = arith.constant 1 : i32
        %select_n3A_137 = arith.select %eq3A_135, %jit3A_136, %jit3A_133 : i32
        %rem3A_138 = arith.remsi %add3A_49, %select_n3A_137 : i32
        %ne3A_139 = arith.constant 0 : i32
        %ne3A_140 = arith.cmpi ne, %rem3A_138, %ne3A_139 : i32
        %lt3A_141 = arith.constant 0 : i32
        %lt3A_142 = arith.cmpi slt, %rem3A_138, %lt3A_141 : i32
        %lt3A_143 = arith.constant 0 : i32
        %lt3A_144 = arith.cmpi slt, %select_n3A_137, %lt3A_143 : i32
        %ne3A_145 = arith.xori %lt3A_142, %lt3A_144 : i1
        %and3A_146 = arith.andi %ne3A_145, %ne3A_140 : i1
        %add3A_147 = arith.addi %rem3A_138, %select_n3A_137 : i32
        %select_n3A_148 = arith.select %and3A_146, %add3A_147, %rem3A_138 : i32
        %mul3A_149 = arith.constant 128 : i32
        %mul3A_150 = arith.muli %select_n3A_148, %mul3A_149 : i32
        %dma_start3A = arith.constant 0 : i32
        %dma_start3A_151 = tpu.memref_slice %arg6[%select_n3A_132, %dma_start3A, %mul3A_150] : memref<156x128x1024xf32, #tpu.memory_space<hbm>> -> memref<1x128x128xf32, #tpu.memory_space<hbm>>
        %dma_start3A_152 = tpu.memref_squeeze %dma_start3A_151 : memref<1x128x128xf32, #tpu.memory_space<hbm>> -> memref<128x128xf32, #tpu.memory_space<hbm>>
        %dma_start3A_153 = arith.constant 0 : i32
        %dma_start3A_154 = tpu.memref_slice %arg6[%select_n3A_132, %dma_start3A_153, %mul3A_150] : memref<156x128x1024xf32, #tpu.memory_space<hbm>> -> memref<1x128x128xf32, #tpu.memory_space<hbm>>
        %dma_start3A_155 = tpu.memref_squeeze %dma_start3A_154 : memref<1x128x128xf32, #tpu.memory_space<hbm>> -> memref<128x128xf32, #tpu.memory_space<hbm>>
        tpu.enqueue_dma source(%arg8 : memref<128x128xf32, #tpu.memory_space<vmem>>) target(%dma_start3A_155 : memref<128x128xf32, #tpu.memory_space<hbm>>) target_semaphore(%arg11 : memref<!tpu.dma_semaphore, #tpu.memory_space<semaphore_mem>>)
      } else {
      }
    }
    %scan3A_6 = arith.constant 39 : i32
    %jit3A = arith.constant 8 : i32
    %div3A = arith.divsi %mul3A_2, %jit3A : i32
    %sign3A = arith.constant 0 : i32
    %sign3A_7 = arith.cmpi sgt, %mul3A_2, %sign3A : i32
    %sign3A_8 = arith.extui %sign3A_7 : i1 to i32
    %sign3A_9 = arith.constant 0 : i32
    %sign3A_10 = arith.cmpi slt, %mul3A_2, %sign3A_9 : i32
    %sign3A_11 = arith.extui %sign3A_10 : i1 to i32
    %sign3A_12 = arith.subi %sign3A_8, %sign3A_11 : i32
    %sign3A_13 = arith.constant 0 : i32
    %sign3A_14 = arith.cmpi sgt, %jit3A, %sign3A_13 : i32
    %sign3A_15 = arith.extui %sign3A_14 : i1 to i32
    %sign3A_16 = arith.constant 0 : i32
    %sign3A_17 = arith.cmpi slt, %jit3A, %sign3A_16 : i32
    %sign3A_18 = arith.extui %sign3A_17 : i1 to i32
    %sign3A_19 = arith.subi %sign3A_15, %sign3A_18 : i32
    %ne3A = arith.cmpi ne, %sign3A_12, %sign3A_19 : i32
    %rem3A = arith.remsi %mul3A_2, %jit3A : i32
    %ne3A_20 = arith.constant 0 : i32
    %ne3A_21 = arith.cmpi ne, %rem3A, %ne3A_20 : i32
    %and3A = arith.andi %ne3A, %ne3A_21 : i1
    %sub3A = arith.constant 1 : i32
    %sub3A_22 = arith.subi %div3A, %sub3A : i32
    %select_n3A = arith.select %and3A, %sub3A_22, %div3A : i32
    %jit3A_23 = arith.constant 8 : i32
    %eq3A = arith.constant 0 : i32
    %eq3A_24 = arith.cmpi eq, %jit3A_23, %eq3A : i32
    %jit3A_25 = arith.constant 1 : i32
    %select_n3A_26 = arith.select %eq3A_24, %jit3A_25, %jit3A_23 : i32
    %rem3A_27 = arith.remsi %mul3A_2, %select_n3A_26 : i32
    %ne3A_28 = arith.constant 0 : i32
    %ne3A_29 = arith.cmpi ne, %rem3A_27, %ne3A_28 : i32
    %lt3A = arith.constant 0 : i32
    %lt3A_30 = arith.cmpi slt, %rem3A_27, %lt3A : i32
    %lt3A_31 = arith.constant 0 : i32
    %lt3A_32 = arith.cmpi slt, %select_n3A_26, %lt3A_31 : i32
    %ne3A_33 = arith.xori %lt3A_30, %lt3A_32 : i1
    %and3A_34 = arith.andi %ne3A_33, %ne3A_29 : i1
    %add3A_35 = arith.addi %rem3A_27, %select_n3A_26 : i32
    %select_n3A_36 = arith.select %and3A_34, %add3A_35, %rem3A_27 : i32
    %mul3A_37 = arith.constant 128 : i32
    %mul3A_38 = arith.muli %select_n3A_36, %mul3A_37 : i32
    %dma_wait3A = arith.constant 0 : i32
    %dma_wait3A_39 = tpu.memref_slice %arg6[%select_n3A, %dma_wait3A, %mul3A_38] : memref<156x128x1024xf32, #tpu.memory_space<hbm>> -> memref<1x128x128xf32, #tpu.memory_space<hbm>>
    %dma_wait3A_40 = tpu.memref_squeeze %dma_wait3A_39 : memref<1x128x128xf32, #tpu.memory_space<hbm>> -> memref<128x128xf32, #tpu.memory_space<hbm>>
    %dma_wait3A_41 = arith.constant 0 : i32
    %dma_wait3A_42 = tpu.memref_slice %arg6[%select_n3A, %dma_wait3A_41, %mul3A_38] : memref<156x128x1024xf32, #tpu.memory_space<hbm>> -> memref<1x128x128xf32, #tpu.memory_space<hbm>>
    %dma_wait3A_43 = tpu.memref_squeeze %dma_wait3A_42 : memref<1x128x128xf32, #tpu.memory_space<hbm>> -> memref<128x128xf32, #tpu.memory_space<hbm>>
    tpu.wait_dma2 semaphore(%arg11 : memref<!tpu.dma_semaphore, #tpu.memory_space<semaphore_mem>>) src(%arg8 : memref<128x128xf32, #tpu.memory_space<vmem>>) dst(%dma_wait3A_43 : memref<128x128xf32, #tpu.memory_space<hbm>>)
    return
  }
}

</mosaic_0001>

<sc_bundles>
// kernel: kernel.3.cloned.1.call-start
scs
__scs_entry_jumppad:
0x0: {  	(pc) =	sbr.rel $0x88, $3  }
0x1: {  	(tag) =	ssettag $0x0;
	lr =	simm.s32 $0x1  }
0x2: {  	[smem:$0x3F9D] =	sst lr;
	_ =	strace $0xD0000000  }
0x3: {  	_ = 	snop  }
0x4: {  	_ = 	snop  }
0x5: {  	_ = 	snop  }
0x6: {  	_ = 	snop  }
0x7: {  	_ = 	snop  }
__scs_overlays_trampoline_lowered:
0x8: {  	[smem:$0x3FAC] =	sst s0  }
0x9: {  	[smem:$0x3FAD] =	sst s1  }
0xa: {  	[smem:$0x3FAE] =	sst s2  }
0xb: {  	[smem:$0x3FAF] =	sst s3  }
0xc: {  	[smem:$0x3FB0] =	sst s4  }
0xd: {  	[smem:$0x3FB1] =	sst s5  }
0xe: {  	[smem:$0x3FB2] =	sst s6  }
0xf: {  	[smem:$0x3FB3] =	sst s7  }
0x10: {  	[smem:$0x3FB4] =	sst s8  }
0x11: {  	[smem:$0x3FB5] =	sst s9;
	s0 =	simm.s32 @!p0 $0x0  }
0x12: {  	s1 =	sld [smem:$0x3F9B];
	s0 =	simm.s32 @p0 $0x1  }
0x13: {  	[smem:$0x3FB6] =	sst s0;
	s0 =	simm.s32 @!p1 $0x0  }
0x14: {  	s2 =	sld [smem:$0x3F9A];
	s0 =	simm.s32 @p1 $0x1  }
0x15: {  	[smem:$0x3FB7] =	sst s0;
	s0 =	simm.s32 @!p2 $0x0  }
0x16: {  	s3 =	sld [smem:$0x3FDB];
	s0 =	simm.s32 @p2 $0x1  }
0x17: {  	s4 =	simm.s32 $0x1BF5;
	[smem:$0x3FB9] =	sst s0  }
0x18: {  	s0 =	sld [smem:$0x3F9C];
	_ =	swait.ge [sflag:s4], $0x0  }
0x19: {  	s7 =	sld [smem:$0x3F9D]  }
0x1a: {  	s8 =	sadd.s32 $0xFFFFE003, lr  }
0x1b: {  	s9 =	sadd.s32 $0xFFFFFEF7, lr;
	s5 =	simm.s32 $0xFFFFFFFF;
	p2 =	slt.u32 s8, $0xFFFFF086  }
0x1c: {  	p1 =	slt.u32 s9, $0xF7A;
	s5 =	simm.s32 @!p2 $0x0  }
0x1d: {  	s5 =	simm.s32 @p1 $0x1;
	p0 =	seq.s32 s7, s2  }
0x1e: {  	s7 =	smul.u32 @!p0 $0xF7A, s2;
	p2 =	seq.s32 @!p0 s5, $0x0  }
0x1f: {  	s9 =	smul.u32 $0xF7A, s1;
	s8 =	simm.s32 @!p0 $0x1BF5;
	p2 =	por !p2, p0  }
0x20: {  	[sflag:s8] =	ssyncset.s32 @!p0 $0xFFFFF086;
	s6 =	sadd.s32 @!p0 s3, s7;
	s7 =	simm.s32 @!p0 $0x108  }
0x21: {  	s3 =	sadd.s32 s3, s9;
	s6 =	sadd.s32 @!p0 $0x88, s6;
	s7 =	simm.s32 @p2 $0x1082  }
0x22: {  	[simem:s7], [sflag:s8] =	dma.local @!p0 [hbm:s6], $0xF7A  }
0x23: {  	s9 =	sor.u32 $0xD0000000, s2;
	s6 =	simm.s32 $0x108;
	_ =	swait.ge @!p0 [sflag:s8], $0x0  }
0x24: {  	s3 =	sadd.s32 $0x88, s3;
	s6 =	simm.s32 @!p1 $0x1082;
	[sflag:s4] =	ssyncset.s32 $0xFFFFF086  }
0x25: {  	[simem:s6], [sflag:s4] =	dma.local [hbm:s3], $0xF7A  }
0x26: {  	[smem:$0x3F9D] =	sst s1;
	(tag) =	ssettag s2;
	_ =	strace s9  }
0x27: {  	s1 =	sld [smem:$0x3FAD]  }
0x28: {  	s2 =	sld [smem:$0x3FAE]  }
0x29: {  	s4 =	sld [smem:$0x3FB0]  }
0x2a: {  	p0 =	seq.s32 s5, $0x0;
	s5 =	sld [smem:$0x3FB1]  }
0x2b: {  	s6 =	sld [smem:$0x3FB2]  }
0x2c: {  	s7 =	sld [smem:$0x3FB3]  }
0x2d: {  	s3 =	simm.s32 $0x108;
	s8 =	sld [smem:$0x3FB4]  }
0x2e: {  	s3 =	simm.s32 @!p0 $0x1082;
	s9 =	sld [smem:$0x3FB5]  }
0x2f: {  	lr =	sadd.s32 s0, s3;
	s0 =	sld [smem:$0x3FAC]  }
0x30: {  	s3 =	sld [smem:$0x3FAF]  }
0x31: {  	[smem:$0x3FB8] =	sst s10  }
0x32: {  	s10 =	sld [smem:$0x3FB6];
	_ =	sdelay $0x3  }
0x33: {  	p0 =	seq.s32 s10, $0x1;
	s10 =	sld [smem:$0x3FB8];
	_ =	sdelay $0x3  }
0x34: {  	[smem:$0x3FB8] =	sst s10  }
0x35: {  	s10 =	sld [smem:$0x3FB7];
	_ =	sdelay $0x3  }
0x36: {  	p1 =	seq.s32 s10, $0x1;
	s10 =	sld [smem:$0x3FB8];
	_ =	sdelay $0x3  }
0x37: {  	[smem:$0x3FB8] =	sst s10  }
0x38: {  	s10 =	sld [smem:$0x3FB9]  }
0x39: {  	_ = 	snop;
	(pc) =	sbr.ind lr, $3  }
0x3a: {  	_ = 	snop  }
0x3b: {  	_ = 	snop  }
0x3c: {  	p2 =	seq.s32 s10, $0x1;
	s10 =	sld [smem:$0x3FB8]  }
0x3d: {  	_ =	shalt  }
0x3e: {  	_ =	shalt  }
0x3f: {  	_ =	shalt  }
0x40: {  	_ =	shalt  }
0x41: {  	_ =	shalt  }
0x42: {  	_ =	shalt  }
0x43: {  	_ =	shalt  }
0x44: {  	_ =	shalt  }
0x45: {  	_ =	shalt  }
0x46: {  	_ =	shalt  }
0x47: {  	_ =	shalt  }
0x48: {  	_ =	shalt  }
0x49: {  	_ =	shalt  }
0x4a: {  	_ =	shalt  }
0x4b: {  	_ =	shalt  }
0x4c: {  	_ =	shalt  }
0x4d: {  	_ =	shalt  }
0x4e: {  	_ =	shalt  }
0x4f: {  	_ =	shalt  }
0x50: {  	_ =	shalt  }
0x51: {  	_ =	shalt  }
0x52: {  	_ =	shalt  }
0x53: {  	_ =	shalt  }
0x54: {  	_ =	shalt  }
0x55: {  	_ =	shalt  }
0x56: {  	_ =	shalt  }
0x57: {  	_ =	shalt  }
0x58: {  	_ =	shalt  }
0x59: {  	_ =	shalt  }
0x5a: {  	_ =	shalt  }
0x5b: {  	_ =	shalt  }
0x5c: {  	_ =	shalt  }
0x5d: {  	_ =	shalt  }
0x5e: {  	_ =	shalt  }
0x5f: {  	_ =	shalt  }
0x60: {  	_ =	shalt  }
0x61: {  	_ =	shalt  }
0x62: {  	_ =	shalt  }
0x63: {  	_ =	shalt  }
0x64: {  	_ =	shalt  }
0x65: {  	_ =	shalt  }
0x66: {  	_ =	shalt  }
0x67: {  	_ =	shalt  }
0x68: {  	_ =	shalt  }
0x69: {  	_ =	shalt  }
0x6a: {  	_ =	shalt  }
0x6b: {  	_ =	shalt  }
0x6c: {  	_ =	shalt  }
0x6d: {  	_ =	shalt  }
0x6e: {  	_ =	shalt  }
0x6f: {  	_ =	shalt  }
0x70: {  	_ =	shalt  }
0x71: {  	_ =	shalt  }
0x72: {  	_ =	shalt  }
0x73: {  	_ =	shalt  }
0x74: {  	_ =	shalt  }
0x75: {  	_ =	shalt  }
0x76: {  	_ =	shalt  }
0x77: {  	_ =	shalt  }
0x78: {  	_ =	shalt  }
0x79: {  	_ =	shalt  }
0x7a: {  	_ =	shalt  }
0x7b: {  	_ =	shalt  }
0x7c: {  	_ =	shalt  }
0x7d: {  	_ =	shalt  }
0x7e: {  	_ =	shalt  }
0x7f: {  	_ =	shalt  }
0x80: {  	_ =	shalt  }
0x81: {  	_ =	shalt  }
0x82: {  	_ =	shalt  }
0x83: {  	_ =	shalt  }
0x84: {  	_ =	shalt  }
0x85: {  	_ =	shalt  }
0x86: {  	_ =	shalt  }
0x87: {  	_ =	shalt  }
.Lfunc_end0:
.L_simem_size_0:
called_computation_lowered:
.L_overlay_start_0:
0x88: {  	s2 =	sld [smem:$0x3FD9]  }
0x89: {  	s3 =	sld [smem:$0x3FFE];
	_ =	sdelay $0x1  }
0x8a: {  	s1 =	srdreg.scid  }
0x8b: {  	s0 =	sand.u32 $0x1, s1  }
0x8c: {  	s17 =	sshll.u32 s0, $0xA;
	s2 =	sadd.s32 s3, s2  }
0x8d: {  	s2 =	sadd.s32 s2, s17  }
0x8e: {  	[smem:$0x3FC4] =	sst s2  }
0x8f: {  	_ = 	snop  }
0x90: {  	s2 =	sld [smem:$0x3FD0];
	(tm) =	ssettm $0x1  }
0x91: {  	s18 =	sld [smem:$0x3FFB];
	_ =	sdelay $0x3  }
0x92: {  	_ =	strace s18  }
0x93: {  	s3 =	sld [smem:$0x3FFC];
	_ =	sdelay $0x3  }
0x94: {  	_ =	strace s3  }
0x95: {  	s3 =	sld [smem:$0x3FFD];
	_ =	sdelay $0x3  }
0x96: {  	_ =	strace s3  }
0x97: {  	_ =	strace $0x8FFFFFFF  }
0x98: {  	s19 =	sld [smem:$0x3FDB];
	_ =	sdelay $0x1  }
0x99: {  	s4 =	simm.s32 $_scs_section_size  }
0x9a: {  	s5 =	simm.s32 $_size__tile_overlayer_lowered;
	s6 =	simm.s32 $_tile_overlayer_lowered  }
0x9b: {  	s22 =	simm.s32 $0x1BFF;
	s21 =	sshll.u32 s6, $0x1;
	s3 =	sadd.s32 s4, s19  }
0x9c: {  	s7 =	simm.s32 $0x0;
	s20 =	sshll.u32 s5, $0x1;
	s5 =	sadd.s32 s21, s3  }
0x9d: {  	[timem:s7], [sflag:s22] =	dma.local [hbm:s5], s20  }
0x9e: {  	_ =	swait.ge [sflag:s22], s20  }
0x9f: {  	s4 =	ssub.s32 $0x0, s20;
	[sflag:s22] =	ssyncset.done $0x0  }
0xa0: {  	[sflag:s22] =	ssyncadd.s32 s4;
	_ =	sdelay $0x1  }
0xa1: {  	s23 =	simm.s32 $0x1B8B  }
0xa2: {  	_ =	swait.ge [sflag:s23], $0x1  }
0xa3: {  	[sflag:s23] =	ssyncset.done $0x0  }
0xa4: {  	s25 =	simm.s32 $0x1B8E;
	s24 =	sld [smem:$0x3FFE];
	[sflag:s23] =	ssyncadd.s32 $0xFFFFFFFF  }
0xa5: {  	s26 =	simm.s32 $execute0_lowered;
	[smem:$0x3FD2] =	sst s25  }
0xa6: {  	s5 =	sshll.u32 s26, $0x1;
	_ =	strace $0x80000046;
	[dreg:$0x1] =	wrdreg $0xFFFFFFFF  }
0xa7: {  	s28 =	simm.s32 $_size_execute0_lowered;
	s3 =	sadd.s32 s3, s5;
	[dreg:$0x0] =	wrdreg $0x0  }
0xa8: {  	s5 =	sshll.u32 s28, $0x1;
	[dreg:$0x2] =	wrdreg s3  }
0xa9: {  	[dreg:$0x3] =	wrdreg s5  }
0xaa: {  	[dreg:$0x4] =	wrdreg $0xC0  }
0xab: {  	_ =	task [dreg:s7], $0x5FFFF  }
0xac: {  	[dreg:$0x1] =	wrdreg $0xFFFFFFFF  }
0xad: {  	[dreg:$0x0] =	wrdreg $0x60  }
0xae: {  	[dreg:$0x2] =	wrdreg s24  }
0xaf: {  	[dreg:$0x3] =	wrdreg s2  }
0xb0: {  	[dreg:$0x4] =	wrdreg $0x9  }
0xb1: {  	_ =	task.clear_ibuf [dreg:s7], $0x5FFFF;
	_ =	strace $0x90000046  }
0xb2: {  	s29 =	simm.s32 $0x9;
	_ =	strace $0x80000048  }
0xb3: {  	_ =	swait.ge [sflag:s29], $0x1  }
0xb4: {  	[sflag:s29] =	ssyncadd.s32 $0xFFFFFFFF  }
0xb5: {  	_ =	strace $0x90000048  }
0xb6: {  	_ =	sfence  }
0xb7: {  	s30 =	sld [smem:$0x0];
	_ =	sdelay $0x2  }
0xb8: {  	s31 =	sshll.u32 s1, $0xD;
	s1 =	sshrl.u32 s1, $0x2  }
0xb9: {  	s3 =	sand.u32 $0x4000, s31;
	s1 =	sadd.s32 s1, s30  }
0xba: {  	s0 =	sor.u32 s3, s0;
	s1 =	sshll.u32 s1, $0x11  }
0xbb: {  	s0 =	sor.u32 s1, s0  }
0xbc: {  	s0 =	sadd.s32 $0x8F2B, s0  }
0xbd: {  	[sflag:s0] =	ssyncadd.remote.s32 $0x1  }
0xbe: {  	_ =	sfence.sel $0xFFFF  }
0xbf: {  	[dreg:$0x0] =	wrdreg $0xFFFFFFFF;
	(pc) =	sbr.abs _section_cstart, $3  }
0xc0: {  	[dreg:$0x1] =	wrdreg $0xFFFFFFFF  }
0xc1: {  	_ =	task.clear_ibuf [dreg:s7], $0x2FFFF;
	_ =	strace $0x9FFFFFFF  }
0xc2: {  	(tm) =	ssettm $0x7FFFFFFF  }
0xc3: {  	_ =	shalt  }
tec
execute0_lowered:
.L_overlay_start_1:
0x0: {  	(tag) =	ssettag $0x1  }
0x1: {  	s7 =	rddreg [dreg:$0x0]  }
0x2: {  	s1 =	rddreg [dreg:$0x1]  }
0x3: {  	s0 =	rddreg [dreg:$0x2];
	s2 =	simm.s32 $0x0;
	s3 =	srdreg.scid  }
0x4: {  	s11 =	simm.s32 $0x3;
	s12 =	simm.s32 $0x61A8;
	s13 =	simm.s32 $0xC350  }
0x5: {  	s14 =	simm.s32 $0x124F8;
	s15 =	simm.s32 $0x186A0;
	s16 =	simm.s32 $0x1  }
0x6: {  	s17 =	simm.s32 $0x80;
	s18 =	simm.s32 $0x400;
	s19 =	simm.s32 $0x2  }
0x7: {  	s20 =	simm.s32 $0x0;
	[smem:$0x7FF] =	sst s2;
	s4 =	sadd.s32 $0x13E00, s7  }
.Ltmp0:
0x8: {  	s5 =	sadd.s32 $0x6E00, s7;
	s6 =	sand.u32 $0x1, s3;
	(pc) =	sbr.rel .LBB2_1-.Ltmp0, $4  }
0x9: {  	s3 =	stileid.u32;
	_ =	strace $0x80000047;
	s8 =	ssub.s32 $0x2, s6  }
0xa: {  	s9 =	sshll.u32 s6, $0x4;
	s6 =	sadd.s32 $0x600, s7;
	s10 =	sshrl.u32 s8, $0x1  }
0xb: {  	s7 =	sadd.s32 $0x400, s7;
	s9 =	sor.u32 s3, s9;
	s10 =	ssub.s32 s8, s10  }
0xc: {  	s8 =	smul.u32 $0x27, s9;
	s9 =	smax.u32 s10, $0x1;
	s10 =	simm.s32 $0x1C6A0  }
.LBB2_12:
0xd: {  	s20 =	sadd.s32 $0x1, s20  }
0xe: {  	p0 =	sne.s32 s20, s9  }
.Ltmp1:
0xf: {  	_ = 	snop;
	(pc) =	sbr.rel @!p0 .LBB2_13-.Ltmp1, $4  }
0x10: {  	_ = 	snop  }
0x11: {  	_ =	swait.ge [sflag:s19], $0x4000  }
0x12: {  	[sflag:s19] =	ssyncset.done $0x0  }
0x13: {  	[sflag:s19] =	ssyncadd.s32 $0xFFFFC000  }
.LBB2_1:
.Ltmp2:
0x14: {  	(pc) =	sbr.rel .LBB2_2-.Ltmp2, $4  }
0x15: {  	[tilespmem:s10], [sflag:$0x3] =	stream.linear.gather [hbm4b:s7+s2], $0x1A0, $0x38;
	[tilespmem:$0x1C840] =	vst v63  }
0x16: {  	_ =	swait.ge [sflag:s11], $0x1A0  }
0x17: {  	[sflag:s11] =	ssyncset.done $0x0  }
0x18: {  	s21 =	simm.s32 $0x0;
	[sflag:s11] =	ssyncadd.s32 $0xFFFFFE60  }
.LBB2_4:
0x19: {  	s25 =	simm.s32 $0x0  }
.LBB2_7:
0x1a: {  	_ =	sdelay $0x1  }
0x1b: {  	v2 =	vld [tilespmem:s25+$0x186A0]  }
0x1c: {  	[tilespmem:s23+$0x18700] =	vst @p0 v1  }
0x1d: {  	v0 =	vld.idx.msk @p0 [tilespmem:v0+s2+$0x0], $0xffff;
	_ =	sdelay $0x3  }
0x1e: {  	v1 =	vld [tilespmem:s25+$0x186B0]  }
0x1f: {  	[tilespmem:s23+$0x18710] =	vst @p0 v0  }
0x20: {  	v0 =	vld.idx.msk [tilespmem:v2+s2+$0x0], $0xffff;
	_ =	sdelay $0x3  }
0x21: {  	v58 =	vld [tilespmem:s25+$0x186C0]  }
0x22: {  	[tilespmem:s25+$0x186A0] =	vst v0  }
0x23: {  	v1 =	vld.idx.msk [tilespmem:v1+s2+$0x0], $0xffff;
	_ =	sdelay $0x3  }
0x24: {  	v59 =	vld [tilespmem:s25+$0x186D0]  }
0x25: {  	[tilespmem:s25+$0x186B0] =	vst v1  }
0x26: {  	v0 =	vld.idx.msk [tilespmem:v58+s2+$0x0], $0xffff;
	_ =	sdelay $0x3  }
0x27: {  	v60 =	vld [tilespmem:s25+$0x186E0]  }
0x28: {  	[tilespmem:s25+$0x186C0] =	vst v0  }
0x29: {  	v1 =	vld.idx.msk [tilespmem:v59+s2+$0x0], $0xffff;
	_ =	sdelay $0x3  }
0x2a: {  	v61 =	vld [tilespmem:s25+$0x186F0]  }
0x2b: {  	[tilespmem:s25+$0x186D0] =	vst v1  }
0x2c: {  	v0 =	vld.idx.msk [tilespmem:v60+s2+$0x0], $0xffff;
	_ =	sdelay $0x3  }
0x2d: {  	v62 =	vld [tilespmem:s25+$0x18700]  }
0x2e: {  	[tilespmem:s25+$0x186E0] =	vst v0  }
0x2f: {  	v1 =	vld.idx.msk [tilespmem:v61+s2+$0x0], $0xffff;
	_ =	sdelay $0x3  }
0x30: {  	v63 =	vld [tilespmem:s25+$0x18710]  }
0x31: {  	[tilespmem:s25+$0x186F0] =	vst v1  }
0x32: {  	v0 =	vld.idx.msk [tilespmem:v62+s2+$0x0], $0xffff;
	_ =	sdelay $0x4  }
0x33: {  	[tilespmem:s25+$0x18700] =	vst v0  }
0x34: {  	v0 =	vld.idx.msk [tilespmem:v63+s2+$0x0], $0xffff;
	_ =	sdelay $0x4  }
0x35: {  	s23 =	simm.s32 $0x1FC000;
	[tilespmem:s25+$0x18710] =	vst v0  }
.LBB2_11:
0x36: {  	s21 =	sadd.s32 $0x1, s21  }
0x37: {  	p0 =	sne.s32 s21, $0x27  }
.Ltmp3:
0x38: {  	s24 =	sshll.u32 s22, $0x4;
	(pc) =	sbr.rel @!p0 .LBB2_12-.Ltmp3, $4  }
0x39: {  	s30 =	sshll.u32 s22, $0xB;
	s24 =	sand.u32 $0x70, s24  }
0x3a: {  	s22 =	sand.u32 s23, s30;
	s31 =	sadd.s32 s1, s24  }
0x3b: {  	s22 =	sadd.s32 s22, s31  }
0x3c: {  	[hbm4b:s22+s17] =	stream.strided.scatter [tilespmem:s15], [sflag:$0x2], $0x4000, s18, s17, $0x38;
	[tilespmem:$0x1C840] =	vst v63  }
.LBB2_2:
0x3d: {  	s22 =	sadd.s32 s8, s21  }
0x3e: {  	p0 =	sgt.u32 s22, $0x33F  }
.Ltmp4:
0x3f: {  	_ = 	snop;
	(pc) =	sbr.rel @p0 .LBB2_8-.Ltmp4, $1  }
0x40: {  	_ =	sdelay $0x3  }
0x41: {  	s23 =	sshrl.u32 s22, $0x5  }
0x42: {  	s24 =	sand.u32 $0x1F, s22;
	s25 =	smul.u32 $0x30D400, s23  }
0x43: {  	s24 =	smul.u32 $0x186A0, s24;
	_ =	sdelay $0x1  }
0x44: {  	s24 =	sadd.s32 s24, s25  }
0x45: {  	s25 =	sshrl.u32 s24, $0x3;
	s26 =	sadd.s32 $0x61A8, s24  }
0x46: {  	s25 =	sadd.s32 s4, s25;
	s26 =	sshrl.u32 s26, $0x3  }
0x47: {  	[tilespmem:s2], [sflag:$0x1] =	stream.linear.gather [hbm4b:s25+s2], $0x61A8, $0x38;
	[tilespmem:$0x1C840] =	vst v63  }
0x48: {  	s24 =	sadd.s32 $0x124F8, s24;
	s26 =	sadd.s32 s4, s26  }
0x49: {  	[tilespmem:s12], [sflag:$0x1] =	stream.linear.gather [hbm4b:s26+s2], $0x61A8, $0x38;
	[tilespmem:$0x1C840] =	vst v63  }
0x4a: {  	s24 =	sshrl.u32 s24, $0x3;
	s25 =	sadd.s32 $0x186A, s25  }
0x4b: {  	[tilespmem:s13], [sflag:$0x1] =	stream.linear.gather [hbm4b:s25+s2], $0x61A8, $0x38;
	[tilespmem:$0x1C840] =	vst v63  }
0x4c: {  	p0 =	seq.s32 s21, $0x0;
	s24 =	sadd.s32 s4, s24  }
0x4d: {  	[tilespmem:s14], [sflag:$0x1] =	stream.linear.gather [hbm4b:s24+s2], $0x61A8, $0x38;
	[tilespmem:$0x1C840] =	vst v63  }
0x4e: {  	s24 =	simm.s32 @!p0 $0x2  }
0x4f: {  	_ =	swait.ge @!p0 [sflag:s24], $0x4000  }
0x50: {  	s23 =	sshll.u32 s23, $0xB;
	[sflag:s24] =	ssyncset.done @!p0 $0x0  }
0x51: {  	s31 =	simm.s32 $0x0;
	s23 =	sadd.s32 s5, s23;
	[sflag:s24] =	ssyncadd.s32 @!p0 $0xFFFFC000  }
0x52: {  	[tilespmem:s15], [sflag:$0x3] =	stream.linear.gather [hbm4b:s23+s31], $0x4000, $0x38;
	[tilespmem:$0x1C840] =	vst v63  }
0x53: {  	_ =	swait.ge [sflag:s11], $0x4000  }
0x54: {  	[sflag:s11] =	ssyncset.done $0x0  }
0x55: {  	[sflag:s11] =	ssyncadd.s32 $0xFFFFC000  }
0x56: {  	_ =	swait.ge [sflag:s16], $0x61A8  }
0x57: {  	[sflag:s16] =	ssyncset.done $0x0  }
0x58: {  	[sflag:s16] =	ssyncadd.s32 $0xFFFF9E58  }
0x59: {  	_ =	swait.ge [sflag:s16], $0x61A8  }
0x5a: {  	[sflag:s16] =	ssyncset.done $0x0  }
0x5b: {  	[sflag:s16] =	ssyncadd.s32 $0xFFFF9E58  }
0x5c: {  	p1 =	por $0x0, $0x0;
	_ =	swait.ge [sflag:s16], $0x61A8  }
.Ltmp5:
0x5d: {  	[sflag:s16] =	ssyncset.done $0x0;
	(pc) =	sbr.rel @p1 .LBB2_4-.Ltmp5, $4  }
0x5e: {  	[sflag:s16] =	ssyncadd.s32 $0xFFFF9E58  }
0x5f: {  	_ =	swait.ge [sflag:s16], $0x61A8  }
0x60: {  	[sflag:s16] =	ssyncset.done $0x0  }
0x61: {  	p0 =	por $0x0, $0x0;
	s23 =	simm.s32 $0x0;
	[sflag:s16] =	ssyncadd.s32 $0xFFFF9E58  }
0x62: {  	v0 =	vld [tilespmem:s23+$0x186A0];
	_ =	sdelay $0x5  }
0x63: {  	v1 =	vld [tilespmem:s23+$0x186B0];
	_ =	sdelay $0x1  }
0x64: {  	v0 =	vld.idx.msk [tilespmem:v0+s2+$0x0], $0xffff;
	_ =	sdelay $0x4  }
0x65: {  	[tilespmem:s23+$0x186A0] =	vst v0;
	v0 =	vld [tilespmem:s23+$0x186C0]  }
0x66: {  	v1 =	vld.idx.msk [tilespmem:v1+s2+$0x0], $0xffff;
	_ =	sdelay $0x4  }
0x67: {  	[tilespmem:s23+$0x186B0] =	vst v1;
	v1 =	vld [tilespmem:s23+$0x186D0];
	_ =	sdelay $0x1  }
0x68: {  	v0 =	vld.idx.msk [tilespmem:v0+s2+$0x0], $0xffff;
	_ =	sdelay $0x4  }
0x69: {  	[tilespmem:s23+$0x186C0] =	vst v0;
	v0 =	vld [tilespmem:s23+$0x186E0]  }
0x6a: {  	v1 =	vld.idx.msk [tilespmem:v1+s2+$0x0], $0xffff;
	_ =	sdelay $0x4  }
0x6b: {  	[tilespmem:s23+$0x186D0] =	vst v1;
	v1 =	vld [tilespmem:s23+$0x186F0];
	_ =	sdelay $0x1  }
0x6c: {  	v0 =	vld.idx.msk [tilespmem:v0+s2+$0x0], $0xffff;
	_ =	sdelay $0x4  }
0x6d: {  	v2 =	vld [tilespmem:s23+$0x18700];
	[tilespmem:s23+$0x186E0] =	vst v0  }
0x6e: {  	v0 =	vld.idx.msk [tilespmem:v1+s2+$0x0], $0xffff;
	_ =	sdelay $0x4  }
0x6f: {  	[tilespmem:s23+$0x186F0] =	vst v0;
	v0 =	vld [tilespmem:s23+$0x18710]  }
0x70: {  	p1 =	por $0x0, $0x0  }
.Ltmp6:
0x71: {  	v1 =	vld.idx.msk [tilespmem:v2+s2+$0x0], $0xffff;
	(pc) =	sbr.rel @p1 .LBB2_7-.Ltmp6, $2  }
0x72: {  	_ =	sdelay $0x2  }
0x73: {  	s25 =	simm.s32 $0x80;
	s24 =	simm.s32 $0x400;
	p0 =	por $0x1, $0x1  }
.LBB2_6:
0x74: {  	p1 =	seq.s32 s24, $0xFE00;
	v2 =	vld [tilespmem:s25+$0x186A0];
	[tilespmem:s23+$0x18700] =	vst v1  }
0x75: {  	v0 =	vld.idx.msk [tilespmem:v0+s2+$0x0], $0xffff;
	_ =	sdelay $0x5  }
0x76: {  	v1 =	vld [tilespmem:s25+$0x186B0];
	[tilespmem:s23+$0x18710] =	vst v0;
	s23 =	smov.u32 s25  }
0x77: {  	v0 =	vld.idx.msk [tilespmem:v2+s2+$0x0], $0xffff;
	_ =	sdelay $0x5  }
0x78: {  	[tilespmem:s23+$0x186A0] =	vst v0;
	v0 =	vld [tilespmem:s23+$0x186C0]  }
0x79: {  	v1 =	vld.idx.msk [tilespmem:v1+s2+$0x0], $0xffff;
	_ =	sdelay $0x5  }
0x7a: {  	[tilespmem:s23+$0x186B0] =	vst v1;
	v1 =	vld [tilespmem:s23+$0x186D0]  }
0x7b: {  	v0 =	vld.idx.msk [tilespmem:v0+s2+$0x0], $0xffff;
	_ =	sdelay $0x5  }
0x7c: {  	[tilespmem:s23+$0x186C0] =	vst v0;
	v0 =	vld [tilespmem:s23+$0x186E0]  }
0x7d: {  	v1 =	vld.idx.msk [tilespmem:v1+s2+$0x0], $0xffff;
	_ =	sdelay $0x5  }
0x7e: {  	[tilespmem:s23+$0x186D0] =	vst v1;
	v1 =	vld [tilespmem:s23+$0x186F0]  }
0x7f: {  	v0 =	vld.idx.msk [tilespmem:v0+s2+$0x0], $0xffff;
	_ =	sdelay $0x5  }
0x80: {  	[tilespmem:s23+$0x186E0] =	vst v0;
	v2 =	vld [tilespmem:s23+$0x18700]  }
0x81: {  	v0 =	vld.idx.msk [tilespmem:v1+s2+$0x0], $0xffff;
	_ =	sdelay $0x5  }
0x82: {  	[tilespmem:s23+$0x186F0] =	vst v0;
	v0 =	vld [tilespmem:s23+$0x18710]  }
0x83: {  	v1 =	vld.idx.msk [tilespmem:v2+s2+$0x0], $0xffff  }
.Ltmp7:
0x84: {  	(pc) =	sbr.rel @!p1 .LBB2_6-.Ltmp7, $2  }
0x85: {  	_ =	sdelay $0x2  }
0x86: {  	s25 =	sshra.s32 s24, $0x2;
	s24 =	sadd.s32 $0x200, s24  }
.Ltmp8:
0x87: {  	_ = 	snop;
	(pc) =	sbr.rel .LBB2_7-.Ltmp8, $1  }
0x88: {  	_ =	sdelay $0x3  }
.LBB2_8:
0x89: {  	s23 =	sadd.s32 $0xFFFFFCC0, s22;
	p0 =	seq.s32 s21, $0x0  }
0x8a: {  	v0 =	vmov s22;
	s23 =	sshrl.u32 s23, $0x5;
	s24 =	simm.s32 @!p0 $0x2  }
0x8b: {  	v0 =	vand.u32 $0x1F, v0;
	s25 =	sshll.u32 s23, $0x5;
	_ =	swait.ge @!p0 [sflag:s24], $0x4000;
	s23 =	sshll.u32 s23, $0xB  }
0x8c: {  	v0 =	vor.u32 s25, v0;
	[sflag:s24] =	ssyncset.done @!p0 $0x0;
	s23 =	sand.u32 $0x1FFFF800, s23  }
0x8d: {  	s31 =	simm.s32 $0x0;
	v0 =	vbroadcast v0, $0x0;
	[sflag:s24] =	ssyncadd.s32 @!p0 $0xFFFFC000;
	s23 =	sadd.s32 s6, s23  }
0x8e: {  	[tilespmem:s15], [sflag:$0x3] =	stream.linear.gather [hbm4b:s23+s31], $0x4000, $0x38;
	[tilespmem:$0x1C840] =	vst v63  }
0x8f: {  	_ =	swait.ge [sflag:s11], $0x4000  }
0x90: {  	[sflag:s11] =	ssyncset.done $0x0  }
0x91: {  	s23 =	simm.s32 $0x0;
	[sflag:s11] =	ssyncadd.s32 $0xFFFFC000  }
0x92: {  	v4 =	vld [tilespmem:s23+$0x186A0]  }
0x93: {  	v0 =	vld.idx.msk [tilespmem:v0+s10+$0x0], $0xffff  }
0x94: {  	v6 =	vld [tilespmem:s23+$0x186B0]  }
0x95: {  	v5 =	vld [tilespmem:s23+$0x186C0]  }
0x96: {  	v3 =	vld [tilespmem:s23+$0x186D0]  }
0x97: {  	v1 =	vld [tilespmem:s23+$0x186E0]  }
0x98: {  	v2 =	vld [tilespmem:s23+$0x186F0];
	v7 =	vmul.f32 v4, v0  }
0x99: {  	s24 =	simm.s32 $0x200;
	v6 =	vmul.f32 v6, v0;
	v4 =	vld [tilespmem:s23+$0x18700]  }
.LBB2_9:
0x9a: {  	s25 =	sshra.s32 s24, $0x2;
	p0 =	sne.s32 s24, $0xFE00;
	[tilespmem:s23+$0x186A0] =	vst v7;
	v5 =	vmul.f32 v5, v0;
	v7 =	vld [tilespmem:s23+$0x18710]  }
0x9b: {  	v8 =	vld [tilespmem:s25+$0x186A0];
	[tilespmem:s23+$0x186B0] =	vst v6;
	v3 =	vmul.f32 v3, v0  }
0x9c: {  	v6 =	vld [tilespmem:s25+$0x186B0];
	[tilespmem:s23+$0x186C0] =	vst v5;
	v1 =	vmul.f32 v1, v0  }
.Ltmp9:
0x9d: {  	v5 =	vld [tilespmem:s25+$0x186C0];
	[tilespmem:s23+$0x186D0] =	vst v3;
	v2 =	vmul.f32 v2, v0;
	(pc) =	sbr.rel @p0 .LBB2_9-.Ltmp9, $4  }
0x9e: {  	v3 =	vld [tilespmem:s25+$0x186D0];
	[tilespmem:s23+$0x186E0] =	vst v1;
	v4 =	vmul.f32 v4, v0  }
0x9f: {  	v1 =	vld [tilespmem:s25+$0x186E0];
	[tilespmem:s23+$0x186F0] =	vst v2;
	v9 =	vmul.f32 v7, v0  }
0xa0: {  	v7 =	vmul.f32 v8, v0;
	v2 =	vld [tilespmem:s25+$0x186F0];
	[tilespmem:s23+$0x18700] =	vst v4  }
0xa1: {  	s24 =	sadd.s32 $0x200, s24;
	v6 =	vmul.f32 v6, v0;
	v4 =	vld [tilespmem:s25+$0x18700];
	[tilespmem:s23+$0x18710] =	vst v9;
	s23 =	smov.u32 s25  }
0xa2: {  	[tilespmem:s23+$0x186A0] =	vst v7;
	v5 =	vmul.f32 v5, v0;
	v61 =	vld [tilespmem:s23+$0x18710]  }
0xa3: {  	[tilespmem:s23+$0x186B0] =	vst v6;
	v3 =	vmul.f32 v3, v0  }
0xa4: {  	[tilespmem:s23+$0x186C0] =	vst v5;
	v1 =	vmul.f32 v1, v0  }
.Ltmp10:
0xa5: {  	[tilespmem:s23+$0x186D0] =	vst v3;
	v2 =	vmul.f32 v2, v0;
	(pc) =	sbr.rel .LBB2_11-.Ltmp10, $4  }
0xa6: {  	[tilespmem:s23+$0x186E0] =	vst v1;
	v62 =	vmul.f32 v4, v0  }
0xa7: {  	[tilespmem:s23+$0x186F0] =	vst v2;
	v63 =	vmul.f32 v61, v0  }
0xa8: {  	[tilespmem:s23+$0x18700] =	vst v62  }
0xa9: {  	[tilespmem:s23+$0x18710] =	vst v63;
	s23 =	simm.s32 $0xFFFC000  }
.LBB2_13:
0xaa: {  	_ =	sfence.sel $0x180000  }
0xab: {  	[bflag:$0x0] =	sbarrier.arrive $0xFFFF  }
0xac: {  	p0 =	sne.s32 s3, $0x0;
	_ =	strace $0x90000047  }
0xad: {  	s0 =	sadd.s32 @!p0 $0x100000, s0;
	[bflag:$0x2] =	sbarrier.arrive $0xFFFF  }
0xae: {  	[sflag:s0] =	ssyncadd.tile.s32 @!p0 $0x1;
	_ =	shalt  }
.Lfunc_end2:
_tile_overlayer_lowered:
.L_overlay_start_2:
0xaf: {  	(tag) =	ssettag $0x2  }
0xb0: {  	s0 =	rddreg [dreg:$0x0];
	s2 =	stileid.u32  }
0xb1: {  	s1 =	rddreg [dreg:$0x1];
	p0 =	sne.s32 s2, $0x0  }
0xb2: {  	s3 =	rddreg [dreg:$0x2];
	[bflag:$0x3] =	sbarrier.arrive $0xFFFF;
	s2 =	simm.s32 @!p0 $0x1C03  }
0xb3: {  	[timem:s3], [sflag:s2] =	dma.local @!p0 [hbm:s0], s1  }
0xb4: {  	s0 =	simm.s32 @!p0 $0x3  }
0xb5: {  	_ =	swait.ge @!p0 [sflag:s0], s1  }
0xb6: {  	s1 =	ssub.s32 @!p0 $0x0, s1;
	[sflag:s0] =	ssyncset.done @!p0 $0x0  }
0xb7: {  	[sflag:s0] =	ssyncadd.s32 @!p0 s1  }
0xb8: {  	[bflag:$0x3] =	sbarrier.arrive $0xFFFF  }
0xb9: {  	_ =	shalt  }

</sc_bundles>
